<compile_context>
chip_gen: v7x
topology: tpu7x:2x2x1
jax: 0.10.2.dev20260603
libtpu: 0.0.44.dev20260713+nightly
codegen_flags: <defaults>
</compile_context>

<pallas_src>
import functools

import jax
import jax.numpy as jnp
from jax import lax
from jax.experimental import pallas as pl
from jax.experimental.pallas import tpu as pltpu
from jax.experimental.pallas import tpu_sc as plsc

B = 16384
D = 32
NC, NS, L = 2, 16, 16
NW = NC * NS
BPW = B // NW
OR = B // 4


def _sc_gather(user_embedding, item_embedding, u, i, j):
    mesh = plsc.VectorSubcoreMesh(core_axis_name="c", subcore_axis_name="s")

    @functools.partial(
        pl.kernel,
        mesh=mesh,
        out_type=[
            jax.ShapeDtypeStruct((B, D), jnp.float32),
            jax.ShapeDtypeStruct((B, D), jnp.float32),
            jax.ShapeDtypeStruct((B, D), jnp.float32),
        ],
        scratch_types=[
            pltpu.VMEM((BPW,), jnp.int32),
            pltpu.VMEM((BPW, D), jnp.float32),
            pltpu.SemaphoreType.DMA,
        ],
    )
    def k(tu_hbm, ti_hbm, u_hbm, i_hbm, j_hbm, gu_hbm, gp_hbm, gn_hbm,
          idx_s, stage, sem):
        wid = lax.axis_index("s") * NC + lax.axis_index("c")
        base = wid * BPW

        def gather(idx_hbm, table, out_hbm):
            pltpu.sync_copy(idx_hbm.at[pl.ds(base, BPW)], idx_s)

            def body(g, carry):
                v = idx_s[pl.ds(g * L, L)]
                for r in range(L):
                    idx = v[r]
                    pos = g * L + r
                    pltpu.async_copy(
                        table.at[pl.ds(idx, 1), :],
                        stage.at[pl.ds(pos, 1), :],
                        sem)
                return carry

            lax.fori_loop(0, BPW // L, body, 0)
            pltpu.make_async_copy(
                table.at[pl.ds(0, BPW), :], stage, sem).wait()
            pltpu.sync_copy(stage, out_hbm.at[pl.ds(base, BPW), :])

        gather(u_hbm, tu_hbm, gu_hbm)
        gather(i_hbm, ti_hbm, gp_hbm)
        gather(j_hbm, ti_hbm, gn_hbm)

    return k(user_embedding, item_embedding, u, i, j)


def _tc_reduce(gu, gp, gn):

    def body(u_ref, p_ref, n_ref, bpr_ref, reg_ref):
        un = u_ref[...]
        pn = p_ref[...]
        nn = n_ref[...]
        h = jnp.sum(un * (nn - pn), axis=1)
        sp = jnp.maximum(h, 0.0) + jnp.log(1.0 + jnp.exp(-jnp.abs(h)))
        bpr = jnp.sum(sp)
        reg = jnp.sum(un * un + pn * pn + nn * nn) * (1.0 / B)
        bpr_ref[...] = jnp.full((8, 128), bpr, jnp.float32)
        reg_ref[...] = jnp.full((8, 128), reg, jnp.float32)

    bpr, reg = pl.pallas_call(
        body,
        out_shape=[jax.ShapeDtypeStruct((8, 128), jnp.float32),
                   jax.ShapeDtypeStruct((8, 128), jnp.float32)],
    )(gu, gp, gn)
    return bpr[0, 0], reg[0, 0]


def kernel(user_embedding, item_embedding, u, i, j):
    u = u.astype(jnp.int32)
    i = i.astype(jnp.int32)
    j = j.astype(jnp.int32)
    gu, gp, gn = _sc_gather(user_embedding, item_embedding, u, i, j)
    return _tc_reduce(gu, gp, gn)

# --- scband reference (transcript-rebuilt; emitter-appended) ---
"""Pipeline reference for scband-bpr-2138893713441 (READ-ONLY COPY).

The authoritative reference and input builder live on the scoring server;
editing this copy changes nothing except your own understanding.
"""

import jax, jax.numpy as jnp
import numpy as np


def setup_inputs(seed: int = 0) -> dict:
    key = jax.random.key(seed)
    k1, k2, k3, k4, k5 = jax.random.split(key, 5)
    user_embedding = jax.random.normal(k1, (1000000, 32), dtype=jnp.float32)
    item_embedding = jax.random.normal(k2, (1000000, 32), dtype=jnp.float32)
    u = jax.random.randint(k3, (16384,), 0, 1000000, dtype=jnp.int64) if jax.config.jax_enable_x64 else jax.random.randint(k3, (16384,), 0, 1000000).astype(jnp.int32)
    i = jax.random.randint(k4, (16384,), 0, 1000000).astype(u.dtype)
    j = jax.random.randint(k5, (16384,), 0, 1000000).astype(u.dtype)
    return {"user_embedding": user_embedding, "item_embedding": item_embedding, "u": u, "i": i, "j": j}


def reference(user_embedding, item_embedding, u, i, j):
    user = jnp.take(user_embedding, u, axis=0)
    pos_item = jnp.take(item_embedding, i, axis=0)
    neg_item = jnp.take(item_embedding, j, axis=0)
    pos_scores = jnp.sum(user * pos_item, axis=1)
    neg_scores = jnp.sum(user * neg_item, axis=1)
    bpr_loss = jnp.sum(jax.nn.softplus(neg_scores - pos_scores))
    reg_loss = jnp.mean(jnp.sum(user ** 2, axis=-1) + jnp.sum(pos_item ** 2 + neg_item ** 2, axis=-1))
    return (bpr_loss, reg_loss)

if __name__ == "__main__":
    import jax
    _d = setup_inputs()
    print(jax.jit(kernel)(*tuple(_d.values())))

</pallas_src>

<mosaic_0001>
#map = affine_map<(d0, d1) -> (0, 0)>
#map1 = affine_map<(d0, d1) -> (0)>
module attributes {stable_mosaic.version = 14 : i64} {
  func.func @k(%arg0: i32, %arg1: i32, %arg2: memref<1000000x32xf32, #tpu.memory_space<hbm>>, %arg3: memref<1000000x32xf32, #tpu.memory_space<hbm>>, %arg4: memref<16384xi32, #tpu.memory_space<hbm>>, %arg5: memref<16384xi32, #tpu.memory_space<hbm>>, %arg6: memref<16384xi32, #tpu.memory_space<hbm>>, %arg7: memref<16384x32xf32, #tpu.memory_space<hbm>>, %arg8: memref<16384x32xf32, #tpu.memory_space<hbm>>, %arg9: memref<16384x32xf32, #tpu.memory_space<hbm>>, %arg10: memref<512xi32, #tpu.memory_space<vmem>>, %arg11: memref<512x32xf32, #tpu.memory_space<vmem>>, %arg12: memref<!tpu.dma_semaphore, #tpu.memory_space<semaphore_mem>>) attributes {dimension_semantics = [#tpu.dimension_semantics<core_parallel>, #tpu.dimension_semantics<subcore_parallel>], iteration_bounds = array<i64: 2, 16>, scalar_prefetch = 0 : i64, scratch_operands = 3 : i64, tpu.core_type = #tpu.core_type<sc_vector_subcore>, window_params = [{transform_indices = #map}, {transform_indices = #map}, {transform_indices = #map1}, {transform_indices = #map1}, {transform_indices = #map1}, {transform_indices = #map}, {transform_indices = #map}, {transform_indices = #map}]} {
    %mul3A = arith.constant 2 : i32
    %mul3A_0 = arith.muli %arg1, %mul3A : i32
    %add3A = arith.addi %mul3A_0, %arg0 : i32
    %mul3A_1 = arith.constant 512 : i32
    %mul3A_2 = arith.muli %add3A, %mul3A_1 : i32
    "tpu.region"() ({
      %run_scoped3A = tpu.sem_alloc : memref<!tpu.dma_semaphore, #tpu.memory_space<semaphore_mem>>
      %dma_start3A = tpu.memref_slice %arg4[%mul3A_2] : memref<16384xi32, #tpu.memory_space<hbm>> -> memref<512xi32, #tpu.memory_space<hbm>>
      %dma_start3A_37 = tpu.memref_slice %arg4[%mul3A_2] : memref<16384xi32, #tpu.memory_space<hbm>> -> memref<512xi32, #tpu.memory_space<hbm>>
      tpu.enqueue_dma source(%dma_start3A_37 : memref<512xi32, #tpu.memory_space<hbm>>) target(%arg10 : memref<512xi32, #tpu.memory_space<vmem>>) target_semaphore(%run_scoped3A : memref<!tpu.dma_semaphore, #tpu.memory_space<semaphore_mem>>)
      %dma_wait3A_38 = tpu.memref_slice %arg4[%mul3A_2] : memref<16384xi32, #tpu.memory_space<hbm>> -> memref<512xi32, #tpu.memory_space<hbm>>
      %dma_wait3A_39 = tpu.memref_slice %arg4[%mul3A_2] : memref<16384xi32, #tpu.memory_space<hbm>> -> memref<512xi32, #tpu.memory_space<hbm>>
      tpu.wait_dma2 semaphore(%run_scoped3A : memref<!tpu.dma_semaphore, #tpu.memory_space<semaphore_mem>>) src(%dma_wait3A_39 : memref<512xi32, #tpu.memory_space<hbm>>) dst(%arg10 : memref<512xi32, #tpu.memory_space<vmem>>)
      tpu.yield
    }) : () -> ()
    %scan3A = arith.constant 0 : i32
    %scan3A_3 = arith.constant 0 : i32
    %scan3A_4 = arith.constant 32 : i32
    %scan3A_5 = arith.addi %scan3A_3, %scan3A_4 : i32
    %scan3A_6 = arith.constant 1 : i32
    scf.for %scan3A_37 = %scan3A_3 to %scan3A_5 step %scan3A_6  : i32 {
      %mul3A_38 = arith.constant 16 : i32
      %mul3A_39 = arith.muli %scan3A_37, %mul3A_38 : i32
      %get3A = arith.index_cast %mul3A_39 : i32 to index
      %get3A_40 = tpu.vector_load %arg10[%get3A] {strides = array<i32>} : memref<512xi32, #tpu.memory_space<vmem>>, vector<16xi32>,
      %get3A_41 = vector.shape_cast %get3A_40 : vector<16xi32> to vector<16xi32>
      %slice3A = vector.extract_strided_slice %get3A_41 {offsets = [0], sizes = [1], strides = [1]} : vector<16xi32> to vector<1xi32>
      %squeeze3A = vector.extract %slice3A[0] : i32 from vector<1xi32>
      %mul3A_42 = arith.constant 16 : i32
      %mul3A_43 = arith.muli %scan3A_37, %mul3A_42 : i32
      %add3A_44 = arith.constant 0 : i32
      %add3A_45 = arith.addi %mul3A_43, %add3A_44 : i32
      %dma_start3A = arith.constant 0 : i32
      %dma_start3A_46 = tpu.memref_slice %arg11[%add3A_45, %dma_start3A] : memref<512x32xf32, #tpu.memory_space<vmem>> -> memref<1x32xf32, #tpu.memory_space<vmem>>
      %dma_start3A_47 = arith.constant 0 : i32
      %dma_start3A_48 = tpu.memref_slice %arg2[%squeeze3A, %dma_start3A_47] : memref<1000000x32xf32, #tpu.memory_space<hbm>> -> memref<1x32xf32, #tpu.memory_space<hbm>>
      %dma_start3A_49 = arith.constant 0 : i32
      %dma_start3A_50 = tpu.memref_slice %arg11[%add3A_45, %dma_start3A_49] : memref<512x32xf32, #tpu.memory_space<vmem>> -> memref<1x32xf32, #tpu.memory_space<vmem>>
      %dma_start3A_51 = arith.constant 0 : i32
      %dma_start3A_52 = tpu.memref_slice %arg2[%squeeze3A, %dma_start3A_51] : memref<1000000x32xf32, #tpu.memory_space<hbm>> -> memref<1x32xf32, #tpu.memory_space<hbm>>
      tpu.enqueue_dma source(%dma_start3A_52 : memref<1x32xf32, #tpu.memory_space<hbm>>) target(%dma_start3A_50 : memref<1x32xf32, #tpu.memory_space<vmem>>) target_semaphore(%arg12 : memref<!tpu.dma_semaphore, #tpu.memory_space<semaphore_mem>>)
      %slice3A_53 = vector.extract_strided_slice %get3A_41 {offsets = [1], sizes = [1], strides = [1]} : vector<16xi32> to vector<1xi32>
      %squeeze3A_54 = vector.extract %slice3A_53[0] : i32 from vector<1xi32>
      %mul3A_55 = arith.constant 16 : i32
      %mul3A_56 = arith.muli %scan3A_37, %mul3A_55 : i32
      %add3A_57 = arith.constant 1 : i32
      %add3A_58 = arith.addi %mul3A_56, %add3A_57 : i32
      %dma_start3A_59 = arith.constant 0 : i32
      %dma_start3A_60 = tpu.memref_slice %arg11[%add3A_58, %dma_start3A_59] : memref<512x32xf32, #tpu.memory_space<vmem>> -> memref<1x32xf32, #tpu.memory_space<vmem>>
      %dma_start3A_61 = arith.constant 0 : i32
      %dma_start3A_62 = tpu.memref_slice %arg2[%squeeze3A_54, %dma_start3A_61] : memref<1000000x32xf32, #tpu.memory_space<hbm>> -> memref<1x32xf32, #tpu.memory_space<hbm>>
      %dma_start3A_63 = arith.constant 0 : i32
      %dma_start3A_64 = tpu.memref_slice %arg11[%add3A_58, %dma_start3A_63] : memref<512x32xf32, #tpu.memory_space<vmem>> -> memref<1x32xf32, #tpu.memory_space<vmem>>
      %dma_start3A_65 = arith.constant 0 : i32
      %dma_start3A_66 = tpu.memref_slice %arg2[%squeeze3A_54, %dma_start3A_65] : memref<1000000x32xf32, #tpu.memory_space<hbm>> -> memref<1x32xf32, #tpu.memory_space<hbm>>
      tpu.enqueue_dma source(%dma_start3A_66 : memref<1x32xf32, #tpu.memory_space<hbm>>) target(%dma_start3A_64 : memref<1x32xf32, #tpu.memory_space<vmem>>) target_semaphore(%arg12 : memref<!tpu.dma_semaphore, #tpu.memory_space<semaphore_mem>>)
      %slice3A_67 = vector.extract_strided_slice %get3A_41 {offsets = [2], sizes = [1], strides = [1]} : vector<16xi32> to vector<1xi32>
      %squeeze3A_68 = vector.extract %slice3A_67[0] : i32 from vector<1xi32>
      %mul3A_69 = arith.constant 16 : i32
      %mul3A_70 = arith.muli %scan3A_37, %mul3A_69 : i32
      %add3A_71 = arith.constant 2 : i32
      %add3A_72 = arith.addi %mul3A_70, %add3A_71 : i32
      %dma_start3A_73 = arith.constant 0 : i32
      %dma_start3A_74 = tpu.memref_slice %arg11[%add3A_72, %dma_start3A_73] : memref<512x32xf32, #tpu.memory_space<vmem>> -> memref<1x32xf32, #tpu.memory_space<vmem>>
      %dma_start3A_75 = arith.constant 0 : i32
      %dma_start3A_76 = tpu.memref_slice %arg2[%squeeze3A_68, %dma_start3A_75] : memref<1000000x32xf32, #tpu.memory_space<hbm>> -> memref<1x32xf32, #tpu.memory_space<hbm>>
      %dma_start3A_77 = arith.constant 0 : i32
      %dma_start3A_78 = tpu.memref_slice %arg11[%add3A_72, %dma_start3A_77] : memref<512x32xf32, #tpu.memory_space<vmem>> -> memref<1x32xf32, #tpu.memory_space<vmem>>
      %dma_start3A_79 = arith.constant 0 : i32
      %dma_start3A_80 = tpu.memref_slice %arg2[%squeeze3A_68, %dma_start3A_79] : memref<1000000x32xf32, #tpu.memory_space<hbm>> -> memref<1x32xf32, #tpu.memory_space<hbm>>
      tpu.enqueue_dma source(%dma_start3A_80 : memref<1x32xf32, #tpu.memory_space<hbm>>) target(%dma_start3A_78 : memref<1x32xf32, #tpu.memory_space<vmem>>) target_semaphore(%arg12 : memref<!tpu.dma_semaphore, #tpu.memory_space<semaphore_mem>>)
      %slice3A_81 = vector.extract_strided_slice %get3A_41 {offsets = [3], sizes = [1], strides = [1]} : vector<16xi32> to vector<1xi32>
      %squeeze3A_82 = vector.extract %slice3A_81[0] : i32 from vector<1xi32>
      %mul3A_83 = arith.constant 16 : i32
      %mul3A_84 = arith.muli %scan3A_37, %mul3A_83 : i32
      %add3A_85 = arith.constant 3 : i32
      %add3A_86 = arith.addi %mul3A_84, %add3A_85 : i32
      %dma_start3A_87 = arith.constant 0 : i32
      %dma_start3A_88 = tpu.memref_slice %arg11[%add3A_86, %dma_start3A_87] : memref<512x32xf32, #tpu.memory_space<vmem>> -> memref<1x32xf32, #tpu.memory_space<vmem>>
      %dma_start3A_89 = arith.constant 0 : i32
      %dma_start3A_90 = tpu.memref_slice %arg2[%squeeze3A_82, %dma_start3A_89] : memref<1000000x32xf32, #tpu.memory_space<hbm>> -> memref<1x32xf32, #tpu.memory_space<hbm>>
      %dma_start3A_91 = arith.constant 0 : i32
      %dma_start3A_92 = tpu.memref_slice %arg11[%add3A_86, %dma_start3A_91] : memref<512x32xf32, #tpu.memory_space<vmem>> -> memref<1x32xf32, #tpu.memory_space<vmem>>
      %dma_start3A_93 = arith.constant 0 : i32
      %dma_start3A_94 = tpu.memref_slice %arg2[%squeeze3A_82, %dma_start3A_93] : memref<1000000x32xf32, #tpu.memory_space<hbm>> -> memref<1x32xf32, #tpu.memory_space<hbm>>
      tpu.enqueue_dma source(%dma_start3A_94 : memref<1x32xf32, #tpu.memory_space<hbm>>) target(%dma_start3A_92 : memref<1x32xf32, #tpu.memory_space<vmem>>) target_semaphore(%arg12 : memref<!tpu.dma_semaphore, #tpu.memory_space<semaphore_mem>>)
      %slice3A_95 = vector.extract_strided_slice %get3A_41 {offsets = [4], sizes = [1], strides = [1]} : vector<16xi32> to vector<1xi32>
      %squeeze3A_96 = vector.extract %slice3A_95[0] : i32 from vector<1xi32>
      %mul3A_97 = arith.constant 16 : i32
      %mul3A_98 = arith.muli %scan3A_37, %mul3A_97 : i32
      %add3A_99 = arith.constant 4 : i32
      %add3A_100 = arith.addi %mul3A_98, %add3A_99 : i32
      %dma_start3A_101 = arith.constant 0 : i32
      %dma_start3A_102 = tpu.memref_slice %arg11[%add3A_100, %dma_start3A_101] : memref<512x32xf32, #tpu.memory_space<vmem>> -> memref<1x32xf32, #tpu.memory_space<vmem>>
      %dma_start3A_103 = arith.constant 0 : i32
      %dma_start3A_104 = tpu.memref_slice %arg2[%squeeze3A_96, %dma_start3A_103] : memref<1000000x32xf32, #tpu.memory_space<hbm>> -> memref<1x32xf32, #tpu.memory_space<hbm>>
      %dma_start3A_105 = arith.constant 0 : i32
      %dma_start3A_106 = tpu.memref_slice %arg11[%add3A_100, %dma_start3A_105] : memref<512x32xf32, #tpu.memory_space<vmem>> -> memref<1x32xf32, #tpu.memory_space<vmem>>
      %dma_start3A_107 = arith.constant 0 : i32
      %dma_start3A_108 = tpu.memref_slice %arg2[%squeeze3A_96, %dma_start3A_107] : memref<1000000x32xf32, #tpu.memory_space<hbm>> -> memref<1x32xf32, #tpu.memory_space<hbm>>
      tpu.enqueue_dma source(%dma_start3A_108 : memref<1x32xf32, #tpu.memory_space<hbm>>) target(%dma_start3A_106 : memref<1x32xf32, #tpu.memory_space<vmem>>) target_semaphore(%arg12 : memref<!tpu.dma_semaphore, #tpu.memory_space<semaphore_mem>>)
      %slice3A_109 = vector.extract_strided_slice %get3A_41 {offsets = [5], sizes = [1], strides = [1]} : vector<16xi32> to vector<1xi32>
      %squeeze3A_110 = vector.extract %slice3A_109[0] : i32 from vector<1xi32>
      %mul3A_111 = arith.constant 16 : i32
      %mul3A_112 = arith.muli %scan3A_37, %mul3A_111 : i32
      %add3A_113 = arith.constant 5 : i32
      %add3A_114 = arith.addi %mul3A_112, %add3A_113 : i32
      %dma_start3A_115 = arith.constant 0 : i32
      %dma_start3A_116 = tpu.memref_slice %arg11[%add3A_114, %dma_start3A_115] : memref<512x32xf32, #tpu.memory_space<vmem>> -> memref<1x32xf32, #tpu.memory_space<vmem>>
      %dma_start3A_117 = arith.constant 0 : i32
      %dma_start3A_118 = tpu.memref_slice %arg2[%squeeze3A_110, %dma_start3A_117] : memref<1000000x32xf32, #tpu.memory_space<hbm>> -> memref<1x32xf32, #tpu.memory_space<hbm>>
      %dma_start3A_119 = arith.constant 0 : i32
      %dma_start3A_120 = tpu.memref_slice %arg11[%add3A_114, %dma_start3A_119] : memref<512x32xf32, #tpu.memory_space<vmem>> -> memref<1x32xf32, #tpu.memory_space<vmem>>
      %dma_start3A_121 = arith.constant 0 : i32
      %dma_start3A_122 = tpu.memref_slice %arg2[%squeeze3A_110, %dma_start3A_121] : memref<1000000x32xf32, #tpu.memory_space<hbm>> -> memref<1x32xf32, #tpu.memory_space<hbm>>
      tpu.enqueue_dma source(%dma_start3A_122 : memref<1x32xf32, #tpu.memory_space<hbm>>) target(%dma_start3A_120 : memref<1x32xf32, #tpu.memory_space<vmem>>) target_semaphore(%arg12 : memref<!tpu.dma_semaphore, #tpu.memory_space<semaphore_mem>>)
      %slice3A_123 = vector.extract_strided_slice %get3A_41 {offsets = [6], sizes = [1], strides = [1]} : vector<16xi32> to vector<1xi32>
      %squeeze3A_124 = vector.extract %slice3A_123[0] : i32 from vector<1xi32>
      %mul3A_125 = arith.constant 16 : i32
      %mul3A_126 = arith.muli %scan3A_37, %mul3A_125 : i32
      %add3A_127 = arith.constant 6 : i32
      %add3A_128 = arith.addi %mul3A_126, %add3A_127 : i32
      %dma_start3A_129 = arith.constant 0 : i32
      %dma_start3A_130 = tpu.memref_slice %arg11[%add3A_128, %dma_start3A_129] : memref<512x32xf32, #tpu.memory_space<vmem>> -> memref<1x32xf32, #tpu.memory_space<vmem>>
      %dma_start3A_131 = arith.constant 0 : i32
      %dma_start3A_132 = tpu.memref_slice %arg2[%squeeze3A_124, %dma_start3A_131] : memref<1000000x32xf32, #tpu.memory_space<hbm>> -> memref<1x32xf32, #tpu.memory_space<hbm>>
      %dma_start3A_133 = arith.constant 0 : i32
      %dma_start3A_134 = tpu.memref_slice %arg11[%add3A_128, %dma_start3A_133] : memref<512x32xf32, #tpu.memory_space<vmem>> -> memref<1x32xf32, #tpu.memory_space<vmem>>
      %dma_start3A_135 = arith.constant 0 : i32
      %dma_start3A_136 = tpu.memref_slice %arg2[%squeeze3A_124, %dma_start3A_135] : memref<1000000x32xf32, #tpu.memory_space<hbm>> -> memref<1x32xf32, #tpu.memory_space<hbm>>
      tpu.enqueue_dma source(%dma_start3A_136 : memref<1x32xf32, #tpu.memory_space<hbm>>) target(%dma_start3A_134 : memref<1x32xf32, #tpu.memory_space<vmem>>) target_semaphore(%arg12 : memref<!tpu.dma_semaphore, #tpu.memory_space<semaphore_mem>>)
      %slice3A_137 = vector.extract_strided_slice %get3A_41 {offsets = [7], sizes = [1], strides = [1]} : vector<16xi32> to vector<1xi32>
      %squeeze3A_138 = vector.extract %slice3A_137[0] : i32 from vector<1xi32>
      %mul3A_139 = arith.constant 16 : i32
      %mul3A_140 = arith.muli %scan3A_37, %mul3A_139 : i32
      %add3A_141 = arith.constant 7 : i32
      %add3A_142 = arith.addi %mul3A_140, %add3A_141 : i32
      %dma_start3A_143 = arith.constant 0 : i32
      %dma_start3A_144 = tpu.memref_slice %arg11[%add3A_142, %dma_start3A_143] : memref<512x32xf32, #tpu.memory_space<vmem>> -> memref<1x32xf32, #tpu.memory_space<vmem>>
      %dma_start3A_145 = arith.constant 0 : i32
      %dma_start3A_146 = tpu.memref_slice %arg2[%squeeze3A_138, %dma_start3A_145] : memref<1000000x32xf32, #tpu.memory_space<hbm>> -> memref<1x32xf32, #tpu.memory_space<hbm>>
      %dma_start3A_147 = arith.constant 0 : i32
      %dma_start3A_148 = tpu.memref_slice %arg11[%add3A_142, %dma_start3A_147] : memref<512x32xf32, #tpu.memory_space<vmem>> -> memref<1x32xf32, #tpu.memory_space<vmem>>
      %dma_start3A_149 = arith.constant 0 : i32
      %dma_start3A_150 = tpu.memref_slice %arg2[%squeeze3A_138, %dma_start3A_149] : memref<1000000x32xf32, #tpu.memory_space<hbm>> -> memref<1x32xf32, #tpu.memory_space<hbm>>
      tpu.enqueue_dma source(%dma_start3A_150 : memref<1x32xf32, #tpu.memory_space<hbm>>) target(%dma_start3A_148 : memref<1x32xf32, #tpu.memory_space<vmem>>) target_semaphore(%arg12 : memref<!tpu.dma_semaphore, #tpu.memory_space<semaphore_mem>>)
      %slice3A_151 = vector.extract_strided_slice %get3A_41 {offsets = [8], sizes = [1], strides = [1]} : vector<16xi32> to vector<1xi32>
      %squeeze3A_152 = vector.extract %slice3A_151[0] : i32 from vector<1xi32>
      %mul3A_153 = arith.constant 16 : i32
      %mul3A_154 = arith.muli %scan3A_37, %mul3A_153 : i32
      %add3A_155 = arith.constant 8 : i32
      %add3A_156 = arith.addi %mul3A_154, %add3A_155 : i32
      %dma_start3A_157 = arith.constant 0 : i32
      %dma_start3A_158 = tpu.memref_slice %arg11[%add3A_156, %dma_start3A_157] : memref<512x32xf32, #tpu.memory_space<vmem>> -> memref<1x32xf32, #tpu.memory_space<vmem>>
      %dma_start3A_159 = arith.constant 0 : i32
      %dma_start3A_160 = tpu.memref_slice %arg2[%squeeze3A_152, %dma_start3A_159] : memref<1000000x32xf32, #tpu.memory_space<hbm>> -> memref<1x32xf32, #tpu.memory_space<hbm>>
      %dma_start3A_161 = arith.constant 0 : i32
      %dma_start3A_162 = tpu.memref_slice %arg11[%add3A_156, %dma_start3A_161] : memref<512x32xf32, #tpu.memory_space<vmem>> -> memref<1x32xf32, #tpu.memory_space<vmem>>
      %dma_start3A_163 = arith.constant 0 : i32
      %dma_start3A_164 = tpu.memref_slice %arg2[%squeeze3A_152, %dma_start3A_163] : memref<1000000x32xf32, #tpu.memory_space<hbm>> -> memref<1x32xf32, #tpu.memory_space<hbm>>
      tpu.enqueue_dma source(%dma_start3A_164 : memref<1x32xf32, #tpu.memory_space<hbm>>) target(%dma_start3A_162 : memref<1x32xf32, #tpu.memory_space<vmem>>) target_semaphore(%arg12 : memref<!tpu.dma_semaphore, #tpu.memory_space<semaphore_mem>>)
      %slice3A_165 = vector.extract_strided_slice %get3A_41 {offsets = [9], sizes = [1], strides = [1]} : vector<16xi32> to vector<1xi32>
      %squeeze3A_166 = vector.extract %slice3A_165[0] : i32 from vector<1xi32>
      %mul3A_167 = arith.constant 16 : i32
      %mul3A_168 = arith.muli %scan3A_37, %mul3A_167 : i32
      %add3A_169 = arith.constant 9 : i32
      %add3A_170 = arith.addi %mul3A_168, %add3A_169 : i32
      %dma_start3A_171 = arith.constant 0 : i32
      %dma_start3A_172 = tpu.memref_slice %arg11[%add3A_170, %dma_start3A_171] : memref<512x32xf32, #tpu.memory_space<vmem>> -> memref<1x32xf32, #tpu.memory_space<vmem>>
      %dma_start3A_173 = arith.constant 0 : i32
      %dma_start3A_174 = tpu.memref_slice %arg2[%squeeze3A_166, %dma_start3A_173] : memref<1000000x32xf32, #tpu.memory_space<hbm>> -> memref<1x32xf32, #tpu.memory_space<hbm>>
      %dma_start3A_175 = arith.constant 0 : i32
      %dma_start3A_176 = tpu.memref_slice %arg11[%add3A_170, %dma_start3A_175] : memref<512x32xf32, #tpu.memory_space<vmem>> -> memref<1x32xf32, #tpu.memory_space<vmem>>
      %dma_start3A_177 = arith.constant 0 : i32
      %dma_start3A_178 = tpu.memref_slice %arg2[%squeeze3A_166, %dma_start3A_177] : memref<1000000x32xf32, #tpu.memory_space<hbm>> -> memref<1x32xf32, #tpu.memory_space<hbm>>
      tpu.enqueue_dma source(%dma_start3A_178 : memref<1x32xf32, #tpu.memory_space<hbm>>) target(%dma_start3A_176 : memref<1x32xf32, #tpu.memory_space<vmem>>) target_semaphore(%arg12 : memref<!tpu.dma_semaphore, #tpu.memory_space<semaphore_mem>>)
      %slice3A_179 = vector.extract_strided_slice %get3A_41 {offsets = [10], sizes = [1], strides = [1]} : vector<16xi32> to vector<1xi32>
      %squeeze3A_180 = vector.extract %slice3A_179[0] : i32 from vector<1xi32>
      %mul3A_181 = arith.constant 16 : i32
      %mul3A_182 = arith.muli %scan3A_37, %mul3A_181 : i32
      %add3A_183 = arith.constant 10 : i32
      %add3A_184 = arith.addi %mul3A_182, %add3A_183 : i32
      %dma_start3A_185 = arith.constant 0 : i32
      %dma_start3A_186 = tpu.memref_slice %arg11[%add3A_184, %dma_start3A_185] : memref<512x32xf32, #tpu.memory_space<vmem>> -> memref<1x32xf32, #tpu.memory_space<vmem>>
      %dma_start3A_187 = arith.constant 0 : i32
      %dma_start3A_188 = tpu.memref_slice %arg2[%squeeze3A_180, %dma_start3A_187] : memref<1000000x32xf32, #tpu.memory_space<hbm>> -> memref<1x32xf32, #tpu.memory_space<hbm>>
      %dma_start3A_189 = arith.constant 0 : i32
      %dma_start3A_190 = tpu.memref_slice %arg11[%add3A_184, %dma_start3A_189] : memref<512x32xf32, #tpu.memory_space<vmem>> -> memref<1x32xf32, #tpu.memory_space<vmem>>
      %dma_start3A_191 = arith.constant 0 : i32
      %dma_start3A_192 = tpu.memref_slice %arg2[%squeeze3A_180, %dma_start3A_191] : memref<1000000x32xf32, #tpu.memory_space<hbm>> -> memref<1x32xf32, #tpu.memory_space<hbm>>
      tpu.enqueue_dma source(%dma_start3A_192 : memref<1x32xf32, #tpu.memory_space<hbm>>) target(%dma_start3A_190 : memref<1x32xf32, #tpu.memory_space<vmem>>) target_semaphore(%arg12 : memref<!tpu.dma_semaphore, #tpu.memory_space<semaphore_mem>>)
      %slice3A_193 = vector.extract_strided_slice %get3A_41 {offsets = [11], sizes = [1], strides = [1]} : vector<16xi32> to vector<1xi32>
      %squeeze3A_194 = vector.extract %slice3A_193[0] : i32 from vector<1xi32>
      %mul3A_195 = arith.constant 16 : i32
      %mul3A_196 = arith.muli %scan3A_37, %mul3A_195 : i32
      %add3A_197 = arith.constant 11 : i32
      %add3A_198 = arith.addi %mul3A_196, %add3A_197 : i32
      %dma_start3A_199 = arith.constant 0 : i32
      %dma_start3A_200 = tpu.memref_slice %arg11[%add3A_198, %dma_start3A_199] : memref<512x32xf32, #tpu.memory_space<vmem>> -> memref<1x32xf32, #tpu.memory_space<vmem>>
      %dma_start3A_201 = arith.constant 0 : i32
      %dma_start3A_202 = tpu.memref_slice %arg2[%squeeze3A_194, %dma_start3A_201] : memref<1000000x32xf32, #tpu.memory_space<hbm>> -> memref<1x32xf32, #tpu.memory_space<hbm>>
      %dma_start3A_203 = arith.constant 0 : i32
      %dma_start3A_204 = tpu.memref_slice %arg11[%add3A_198, %dma_start3A_203] : memref<512x32xf32, #tpu.memory_space<vmem>> -> memref<1x32xf32, #tpu.memory_space<vmem>>
      %dma_start3A_205 = arith.constant 0 : i32
      %dma_start3A_206 = tpu.memref_slice %arg2[%squeeze3A_194, %dma_start3A_205] : memref<1000000x32xf32, #tpu.memory_space<hbm>> -> memref<1x32xf32, #tpu.memory_space<hbm>>
      tpu.enqueue_dma source(%dma_start3A_206 : memref<1x32xf32, #tpu.memory_space<hbm>>) target(%dma_start3A_204 : memref<1x32xf32, #tpu.memory_space<vmem>>) target_semaphore(%arg12 : memref<!tpu.dma_semaphore, #tpu.memory_space<semaphore_mem>>)
      %slice3A_207 = vector.extract_strided_slice %get3A_41 {offsets = [12], sizes = [1], strides = [1]} : vector<16xi32> to vector<1xi32>
      %squeeze3A_208 = vector.extract %slice3A_207[0] : i32 from vector<1xi32>
      %mul3A_209 = arith.constant 16 : i32
      %mul3A_210 = arith.muli %scan3A_37, %mul3A_209 : i32
      %add3A_211 = arith.constant 12 : i32
      %add3A_212 = arith.addi %mul3A_210, %add3A_211 : i32
      %dma_start3A_213 = arith.constant 0 : i32
      %dma_start3A_214 = tpu.memref_slice %arg11[%add3A_212, %dma_start3A_213] : memref<512x32xf32, #tpu.memory_space<vmem>> -> memref<1x32xf32, #tpu.memory_space<vmem>>
      %dma_start3A_215 = arith.constant 0 : i32
      %dma_start3A_216 = tpu.memref_slice %arg2[%squeeze3A_208, %dma_start3A_215] : memref<1000000x32xf32, #tpu.memory_space<hbm>> -> memref<1x32xf32, #tpu.memory_space<hbm>>
      %dma_start3A_217 = arith.constant 0 : i32
      %dma_start3A_218 = tpu.memref_slice %arg11[%add3A_212, %dma_start3A_217] : memref<512x32xf32, #tpu.memory_space<vmem>> -> memref<1x32xf32, #tpu.memory_space<vmem>>
      %dma_start3A_219 = arith.constant 0 : i32
      %dma_start3A_220 = tpu.memref_slice %arg2[%squeeze3A_208, %dma_start3A_219] : memref<1000000x32xf32, #tpu.memory_space<hbm>> -> memref<1x32xf32, #tpu.memory_space<hbm>>
      tpu.enqueue_dma source(%dma_start3A_220 : memref<1x32xf32, #tpu.memory_space<hbm>>) target(%dma_start3A_218 : memref<1x32xf32, #tpu.memory_space<vmem>>) target_semaphore(%arg12 : memref<!tpu.dma_semaphore, #tpu.memory_space<semaphore_mem>>)
      %slice3A_221 = vector.extract_strided_slice %get3A_41 {offsets = [13], sizes = [1], strides = [1]} : vector<16xi32> to vector<1xi32>
      %squeeze3A_222 = vector.extract %slice3A_221[0] : i32 from vector<1xi32>
      %mul3A_223 = arith.constant 16 : i32
      %mul3A_224 = arith.muli %scan3A_37, %mul3A_223 : i32
      %add3A_225 = arith.constant 13 : i32
      %add3A_226 = arith.addi %mul3A_224, %add3A_225 : i32
      %dma_start3A_227 = arith.constant 0 : i32
      %dma_start3A_228 = tpu.memref_slice %arg11[%add3A_226, %dma_start3A_227] : memref<512x32xf32, #tpu.memory_space<vmem>> -> memref<1x32xf32, #tpu.memory_space<vmem>>
      %dma_start3A_229 = arith.constant 0 : i32
      %dma_start3A_230 = tpu.memref_slice %arg2[%squeeze3A_222, %dma_start3A_229] : memref<1000000x32xf32, #tpu.memory_space<hbm>> -> memref<1x32xf32, #tpu.memory_space<hbm>>
      %dma_start3A_231 = arith.constant 0 : i32
      %dma_start3A_232 = tpu.memref_slice %arg11[%add3A_226, %dma_start3A_231] : memref<512x32xf32, #tpu.memory_space<vmem>> -> memref<1x32xf32, #tpu.memory_space<vmem>>
      %dma_start3A_233 = arith.constant 0 : i32
      %dma_start3A_234 = tpu.memref_slice %arg2[%squeeze3A_222, %dma_start3A_233] : memref<1000000x32xf32, #tpu.memory_space<hbm>> -> memref<1x32xf32, #tpu.memory_space<hbm>>
      tpu.enqueue_dma source(%dma_start3A_234 : memref<1x32xf32, #tpu.memory_space<hbm>>) target(%dma_start3A_232 : memref<1x32xf32, #tpu.memory_space<vmem>>) target_semaphore(%arg12 : memref<!tpu.dma_semaphore, #tpu.memory_space<semaphore_mem>>)
      %slice3A_235 = vector.extract_strided_slice %get3A_41 {offsets = [14], sizes = [1], strides = [1]} : vector<16xi32> to vector<1xi32>
      %squeeze3A_236 = vector.extract %slice3A_235[0] : i32 from vector<1xi32>
      %mul3A_237 = arith.constant 16 : i32
      %mul3A_238 = arith.muli %scan3A_37, %mul3A_237 : i32
      %add3A_239 = arith.constant 14 : i32
      %add3A_240 = arith.addi %mul3A_238, %add3A_239 : i32
      %dma_start3A_241 = arith.constant 0 : i32
      %dma_start3A_242 = tpu.memref_slice %arg11[%add3A_240, %dma_start3A_241] : memref<512x32xf32, #tpu.memory_space<vmem>> -> memref<1x32xf32, #tpu.memory_space<vmem>>
      %dma_start3A_243 = arith.constant 0 : i32
      %dma_start3A_244 = tpu.memref_slice %arg2[%squeeze3A_236, %dma_start3A_243] : memref<1000000x32xf32, #tpu.memory_space<hbm>> -> memref<1x32xf32, #tpu.memory_space<hbm>>
      %dma_start3A_245 = arith.constant 0 : i32
      %dma_start3A_246 = tpu.memref_slice %arg11[%add3A_240, %dma_start3A_245] : memref<512x32xf32, #tpu.memory_space<vmem>> -> memref<1x32xf32, #tpu.memory_space<vmem>>
      %dma_start3A_247 = arith.constant 0 : i32
      %dma_start3A_248 = tpu.memref_slice %arg2[%squeeze3A_236, %dma_start3A_247] : memref<1000000x32xf32, #tpu.memory_space<hbm>> -> memref<1x32xf32, #tpu.memory_space<hbm>>
      tpu.enqueue_dma source(%dma_start3A_248 : memref<1x32xf32, #tpu.memory_space<hbm>>) target(%dma_start3A_246 : memref<1x32xf32, #tpu.memory_space<vmem>>) target_semaphore(%arg12 : memref<!tpu.dma_semaphore, #tpu.memory_space<semaphore_mem>>)
      %slice3A_249 = vector.extract_strided_slice %get3A_41 {offsets = [15], sizes = [1], strides = [1]} : vector<16xi32> to vector<1xi32>
      %squeeze3A_250 = vector.extract %slice3A_249[0] : i32 from vector<1xi32>
      %mul3A_251 = arith.constant 16 : i32
      %mul3A_252 = arith.muli %scan3A_37, %mul3A_251 : i32
      %add3A_253 = arith.constant 15 : i32
      %add3A_254 = arith.addi %mul3A_252, %add3A_253 : i32
      %dma_start3A_255 = arith.constant 0 : i32
      %dma_start3A_256 = tpu.memref_slice %arg11[%add3A_254, %dma_start3A_255] : memref<512x32xf32, #tpu.memory_space<vmem>> -> memref<1x32xf32, #tpu.memory_space<vmem>>
      %dma_start3A_257 = arith.constant 0 : i32
      %dma_start3A_258 = tpu.memref_slice %arg2[%squeeze3A_250, %dma_start3A_257] : memref<1000000x32xf32, #tpu.memory_space<hbm>> -> memref<1x32xf32, #tpu.memory_space<hbm>>
      %dma_start3A_259 = arith.constant 0 : i32
      %dma_start3A_260 = tpu.memref_slice %arg11[%add3A_254, %dma_start3A_259] : memref<512x32xf32, #tpu.memory_space<vmem>> -> memref<1x32xf32, #tpu.memory_space<vmem>>
      %dma_start3A_261 = arith.constant 0 : i32
      %dma_start3A_262 = tpu.memref_slice %arg2[%squeeze3A_250, %dma_start3A_261] : memref<1000000x32xf32, #tpu.memory_space<hbm>> -> memref<1x32xf32, #tpu.memory_space<hbm>>
      tpu.enqueue_dma source(%dma_start3A_262 : memref<1x32xf32, #tpu.memory_space<hbm>>) target(%dma_start3A_260 : memref<1x32xf32, #tpu.memory_space<vmem>>) target_semaphore(%arg12 : memref<!tpu.dma_semaphore, #tpu.memory_space<semaphore_mem>>)
    }
    %scan3A_7 = arith.constant 32 : i32
    %dma_wait3A = arith.constant 0 : i32
    %dma_wait3A_8 = arith.constant 0 : i32
    %dma_wait3A_9 = tpu.memref_slice %arg2[%dma_wait3A, %dma_wait3A_8] : memref<1000000x32xf32, #tpu.memory_space<hbm>> -> memref<512x32xf32, #tpu.memory_space<hbm>>
    %dma_wait3A_10 = arith.constant 0 : i32
    %dma_wait3A_11 = arith.constant 0 : i32
    %dma_wait3A_12 = tpu.memref_slice %arg2[%dma_wait3A_10, %dma_wait3A_11] : memref<1000000x32xf32, #tpu.memory_space<hbm>> -> memref<512x32xf32, #tpu.memory_space<hbm>>
    tpu.wait_dma2 semaphore(%arg12 : memref<!tpu.dma_semaphore, #tpu.memory_space<semaphore_mem>>) src(%dma_wait3A_12 : memref<512x32xf32, #tpu.memory_space<hbm>>) dst(%arg11 : memref<512x32xf32, #tpu.memory_space<vmem>>)
    "tpu.region"() ({
      %run_scoped3A = tpu.sem_alloc : memref<!tpu.dma_semaphore, #tpu.memory_space<semaphore_mem>>
      %dma_start3A = arith.constant 0 : i32
      %dma_start3A_37 = tpu.memref_slice %arg7[%mul3A_2, %dma_start3A] : memref<16384x32xf32, #tpu.memory_space<hbm>> -> memref<512x32xf32, #tpu.memory_space<hbm>>
      %dma_start3A_38 = arith.constant 0 : i32
      %dma_start3A_39 = tpu.memref_slice %arg7[%mul3A_2, %dma_start3A_38] : memref<16384x32xf32, #tpu.memory_space<hbm>> -> memref<512x32xf32, #tpu.memory_space<hbm>>
      tpu.enqueue_dma source(%arg11 : memref<512x32xf32, #tpu.memory_space<vmem>>) target(%dma_start3A_39 : memref<512x32xf32, #tpu.memory_space<hbm>>) target_semaphore(%run_scoped3A : memref<!tpu.dma_semaphore, #tpu.memory_space<semaphore_mem>>)
      %dma_wait3A_40 = arith.constant 0 : i32
      %dma_wait3A_41 = tpu.memref_slice %arg7[%mul3A_2, %dma_wait3A_40] : memref<16384x32xf32, #tpu.memory_space<hbm>> -> memref<512x32xf32, #tpu.memory_space<hbm>>
      %dma_wait3A_42 = arith.constant 0 : i32
      %dma_wait3A_43 = tpu.memref_slice %arg7[%mul3A_2, %dma_wait3A_42] : memref<16384x32xf32, #tpu.memory_space<hbm>> -> memref<512x32xf32, #tpu.memory_space<hbm>>
      tpu.wait_dma2 semaphore(%run_scoped3A : memref<!tpu.dma_semaphore, #tpu.memory_space<semaphore_mem>>) src(%arg11 : memref<512x32xf32, #tpu.memory_space<vmem>>) dst(%dma_wait3A_43 : memref<512x32xf32, #tpu.memory_space<hbm>>)
      tpu.yield
    }) : () -> ()
    "tpu.region"() ({
      %run_scoped3A = tpu.sem_alloc : memref<!tpu.dma_semaphore, #tpu.memory_space<semaphore_mem>>
      %dma_start3A = tpu.memref_slice %arg5[%mul3A_2] : memref<16384xi32, #tpu.memory_space<hbm>> -> memref<512xi32, #tpu.memory_space<hbm>>
      %dma_start3A_37 = tpu.memref_slice %arg5[%mul3A_2] : memref<16384xi32, #tpu.memory_space<hbm>> -> memref<512xi32, #tpu.memory_space<hbm>>
      tpu.enqueue_dma source(%dma_start3A_37 : memref<512xi32, #tpu.memory_space<hbm>>) target(%arg10 : memref<512xi32, #tpu.memory_space<vmem>>) target_semaphore(%run_scoped3A : memref<!tpu.dma_semaphore, #tpu.memory_space<semaphore_mem>>)
      %dma_wait3A_38 = tpu.memref_slice %arg5[%mul3A_2] : memref<16384xi32, #tpu.memory_space<hbm>> -> memref<512xi32, #tpu.memory_space<hbm>>
      %dma_wait3A_39 = tpu.memref_slice %arg5[%mul3A_2] : memref<16384xi32, #tpu.memory_space<hbm>> -> memref<512xi32, #tpu.memory_space<hbm>>
      tpu.wait_dma2 semaphore(%run_scoped3A : memref<!tpu.dma_semaphore, #tpu.memory_space<semaphore_mem>>) src(%dma_wait3A_39 : memref<512xi32, #tpu.memory_space<hbm>>) dst(%arg10 : memref<512xi32, #tpu.memory_space<vmem>>)
      tpu.yield
    }) : () -> ()
    %scan3A_13 = arith.constant 0 : i32
    %scan3A_14 = arith.constant 0 : i32
    %scan3A_15 = arith.constant 32 : i32
    %scan3A_16 = arith.addi %scan3A_14, %scan3A_15 : i32
    %scan3A_17 = arith.constant 1 : i32
    scf.for %scan3A_37 = %scan3A_14 to %scan3A_16 step %scan3A_17  : i32 {
      %mul3A_38 = arith.constant 16 : i32
      %mul3A_39 = arith.muli %scan3A_37, %mul3A_38 : i32
      %get3A = arith.index_cast %mul3A_39 : i32 to index
      %get3A_40 = tpu.vector_load %arg10[%get3A] {strides = array<i32>} : memref<512xi32, #tpu.memory_space<vmem>>, vector<16xi32>,
      %get3A_41 = vector.shape_cast %get3A_40 : vector<16xi32> to vector<16xi32>
      %slice3A = vector.extract_strided_slice %get3A_41 {offsets = [0], sizes = [1], strides = [1]} : vector<16xi32> to vector<1xi32>
      %squeeze3A = vector.extract %slice3A[0] : i32 from vector<1xi32>
      %mul3A_42 = arith.constant 16 : i32
      %mul3A_43 = arith.muli %scan3A_37, %mul3A_42 : i32
      %add3A_44 = arith.constant 0 : i32
      %add3A_45 = arith.addi %mul3A_43, %add3A_44 : i32
      %dma_start3A = arith.constant 0 : i32
      %dma_start3A_46 = tpu.memref_slice %arg11[%add3A_45, %dma_start3A] : memref<512x32xf32, #tpu.memory_space<vmem>> -> memref<1x32xf32, #tpu.memory_space<vmem>>
      %dma_start3A_47 = arith.constant 0 : i32
      %dma_start3A_48 = tpu.memref_slice %arg3[%squeeze3A, %dma_start3A_47] : memref<1000000x32xf32, #tpu.memory_space<hbm>> -> memref<1x32xf32, #tpu.memory_space<hbm>>
      %dma_start3A_49 = arith.constant 0 : i32
      %dma_start3A_50 = tpu.memref_slice %arg11[%add3A_45, %dma_start3A_49] : memref<512x32xf32, #tpu.memory_space<vmem>> -> memref<1x32xf32, #tpu.memory_space<vmem>>
      %dma_start3A_51 = arith.constant 0 : i32
      %dma_start3A_52 = tpu.memref_slice %arg3[%squeeze3A, %dma_start3A_51] : memref<1000000x32xf32, #tpu.memory_space<hbm>> -> memref<1x32xf32, #tpu.memory_space<hbm>>
      tpu.enqueue_dma source(%dma_start3A_52 : memref<1x32xf32, #tpu.memory_space<hbm>>) target(%dma_start3A_50 : memref<1x32xf32, #tpu.memory_space<vmem>>) target_semaphore(%arg12 : memref<!tpu.dma_semaphore, #tpu.memory_space<semaphore_mem>>)
      %slice3A_53 = vector.extract_strided_slice %get3A_41 {offsets = [1], sizes = [1], strides = [1]} : vector<16xi32> to vector<1xi32>
      %squeeze3A_54 = vector.extract %slice3A_53[0] : i32 from vector<1xi32>
      %mul3A_55 = arith.constant 16 : i32
      %mul3A_56 = arith.muli %scan3A_37, %mul3A_55 : i32
      %add3A_57 = arith.constant 1 : i32
      %add3A_58 = arith.addi %mul3A_56, %add3A_57 : i32
      %dma_start3A_59 = arith.constant 0 : i32
      %dma_start3A_60 = tpu.memref_slice %arg11[%add3A_58, %dma_start3A_59] : memref<512x32xf32, #tpu.memory_space<vmem>> -> memref<1x32xf32, #tpu.memory_space<vmem>>
      %dma_start3A_61 = arith.constant 0 : i32
      %dma_start3A_62 = tpu.memref_slice %arg3[%squeeze3A_54, %dma_start3A_61] : memref<1000000x32xf32, #tpu.memory_space<hbm>> -> memref<1x32xf32, #tpu.memory_space<hbm>>
      %dma_start3A_63 = arith.constant 0 : i32
      %dma_start3A_64 = tpu.memref_slice %arg11[%add3A_58, %dma_start3A_63] : memref<512x32xf32, #tpu.memory_space<vmem>> -> memref<1x32xf32, #tpu.memory_space<vmem>>
      %dma_start3A_65 = arith.constant 0 : i32
      %dma_start3A_66 = tpu.memref_slice %arg3[%squeeze3A_54, %dma_start3A_65] : memref<1000000x32xf32, #tpu.memory_space<hbm>> -> memref<1x32xf32, #tpu.memory_space<hbm>>
      tpu.enqueue_dma source(%dma_start3A_66 : memref<1x32xf32, #tpu.memory_space<hbm>>) target(%dma_start3A_64 : memref<1x32xf32, #tpu.memory_space<vmem>>) target_semaphore(%arg12 : memref<!tpu.dma_semaphore, #tpu.memory_space<semaphore_mem>>)
      %slice3A_67 = vector.extract_strided_slice %get3A_41 {offsets = [2], sizes = [1], strides = [1]} : vector<16xi32> to vector<1xi32>
      %squeeze3A_68 = vector.extract %slice3A_67[0] : i32 from vector<1xi32>
      %mul3A_69 = arith.constant 16 : i32
      %mul3A_70 = arith.muli %scan3A_37, %mul3A_69 : i32
      %add3A_71 = arith.constant 2 : i32
      %add3A_72 = arith.addi %mul3A_70, %add3A_71 : i32
      %dma_start3A_73 = arith.constant 0 : i32
      %dma_start3A_74 = tpu.memref_slice %arg11[%add3A_72, %dma_start3A_73] : memref<512x32xf32, #tpu.memory_space<vmem>> -> memref<1x32xf32, #tpu.memory_space<vmem>>
      %dma_start3A_75 = arith.constant 0 : i32
      %dma_start3A_76 = tpu.memref_slice %arg3[%squeeze3A_68, %dma_start3A_75] : memref<1000000x32xf32, #tpu.memory_space<hbm>> -> memref<1x32xf32, #tpu.memory_space<hbm>>
      %dma_start3A_77 = arith.constant 0 : i32
      %dma_start3A_78 = tpu.memref_slice %arg11[%add3A_72, %dma_start3A_77] : memref<512x32xf32, #tpu.memory_space<vmem>> -> memref<1x32xf32, #tpu.memory_space<vmem>>
      %dma_start3A_79 = arith.constant 0 : i32
      %dma_start3A_80 = tpu.memref_slice %arg3[%squeeze3A_68, %dma_start3A_79] : memref<1000000x32xf32, #tpu.memory_space<hbm>> -> memref<1x32xf32, #tpu.memory_space<hbm>>
      tpu.enqueue_dma source(%dma_start3A_80 : memref<1x32xf32, #tpu.memory_space<hbm>>) target(%dma_start3A_78 : memref<1x32xf32, #tpu.memory_space<vmem>>) target_semaphore(%arg12 : memref<!tpu.dma_semaphore, #tpu.memory_space<semaphore_mem>>)
      %slice3A_81 = vector.extract_strided_slice %get3A_41 {offsets = [3], sizes = [1], strides = [1]} : vector<16xi32> to vector<1xi32>
      %squeeze3A_82 = vector.extract %slice3A_81[0] : i32 from vector<1xi32>
      %mul3A_83 = arith.constant 16 : i32
      %mul3A_84 = arith.muli %scan3A_37, %mul3A_83 : i32
      %add3A_85 = arith.constant 3 : i32
      %add3A_86 = arith.addi %mul3A_84, %add3A_85 : i32
      %dma_start3A_87 = arith.constant 0 : i32
      %dma_start3A_88 = tpu.memref_slice %arg11[%add3A_86, %dma_start3A_87] : memref<512x32xf32, #tpu.memory_space<vmem>> -> memref<1x32xf32, #tpu.memory_space<vmem>>
      %dma_start3A_89 = arith.constant 0 : i32
      %dma_start3A_90 = tpu.memref_slice %arg3[%squeeze3A_82, %dma_start3A_89] : memref<1000000x32xf32, #tpu.memory_space<hbm>> -> memref<1x32xf32, #tpu.memory_space<hbm>>
      %dma_start3A_91 = arith.constant 0 : i32
      %dma_start3A_92 = tpu.memref_slice %arg11[%add3A_86, %dma_start3A_91] : memref<512x32xf32, #tpu.memory_space<vmem>> -> memref<1x32xf32, #tpu.memory_space<vmem>>
      %dma_start3A_93 = arith.constant 0 : i32
      %dma_start3A_94 = tpu.memref_slice %arg3[%squeeze3A_82, %dma_start3A_93] : memref<1000000x32xf32, #tpu.memory_space<hbm>> -> memref<1x32xf32, #tpu.memory_space<hbm>>
      tpu.enqueue_dma source(%dma_start3A_94 : memref<1x32xf32, #tpu.memory_space<hbm>>) target(%dma_start3A_92 : memref<1x32xf32, #tpu.memory_space<vmem>>) target_semaphore(%arg12 : memref<!tpu.dma_semaphore, #tpu.memory_space<semaphore_mem>>)
      %slice3A_95 = vector.extract_strided_slice %get3A_41 {offsets = [4], sizes = [1], strides = [1]} : vector<16xi32> to vector<1xi32>
      %squeeze3A_96 = vector.extract %slice3A_95[0] : i32 from vector<1xi32>
      %mul3A_97 = arith.constant 16 : i32
      %mul3A_98 = arith.muli %scan3A_37, %mul3A_97 : i32
      %add3A_99 = arith.constant 4 : i32
      %add3A_100 = arith.addi %mul3A_98, %add3A_99 : i32
      %dma_start3A_101 = arith.constant 0 : i32
      %dma_start3A_102 = tpu.memref_slice %arg11[%add3A_100, %dma_start3A_101] : memref<512x32xf32, #tpu.memory_space<vmem>> -> memref<1x32xf32, #tpu.memory_space<vmem>>
      %dma_start3A_103 = arith.constant 0 : i32
      %dma_start3A_104 = tpu.memref_slice %arg3[%squeeze3A_96, %dma_start3A_103] : memref<1000000x32xf32, #tpu.memory_space<hbm>> -> memref<1x32xf32, #tpu.memory_space<hbm>>
      %dma_start3A_105 = arith.constant 0 : i32
      %dma_start3A_106 = tpu.memref_slice %arg11[%add3A_100, %dma_start3A_105] : memref<512x32xf32, #tpu.memory_space<vmem>> -> memref<1x32xf32, #tpu.memory_space<vmem>>
      %dma_start3A_107 = arith.constant 0 : i32
      %dma_start3A_108 = tpu.memref_slice %arg3[%squeeze3A_96, %dma_start3A_107] : memref<1000000x32xf32, #tpu.memory_space<hbm>> -> memref<1x32xf32, #tpu.memory_space<hbm>>
      tpu.enqueue_dma source(%dma_start3A_108 : memref<1x32xf32, #tpu.memory_space<hbm>>) target(%dma_start3A_106 : memref<1x32xf32, #tpu.memory_space<vmem>>) target_semaphore(%arg12 : memref<!tpu.dma_semaphore, #tpu.memory_space<semaphore_mem>>)
      %slice3A_109 = vector.extract_strided_slice %get3A_41 {offsets = [5], sizes = [1], strides = [1]} : vector<16xi32> to vector<1xi32>
      %squeeze3A_110 = vector.extract %slice3A_109[0] : i32 from vector<1xi32>
      %mul3A_111 = arith.constant 16 : i32
      %mul3A_112 = arith.muli %scan3A_37, %mul3A_111 : i32
      %add3A_113 = arith.constant 5 : i32
      %add3A_114 = arith.addi %mul3A_112, %add3A_113 : i32
      %dma_start3A_115 = arith.constant 0 : i32
      %dma_start3A_116 = tpu.memref_slice %arg11[%add3A_114, %dma_start3A_115] : memref<512x32xf32, #tpu.memory_space<vmem>> -> memref<1x32xf32, #tpu.memory_space<vmem>>
      %dma_start3A_117 = arith.constant 0 : i32
      %dma_start3A_118 = tpu.memref_slice %arg3[%squeeze3A_110, %dma_start3A_117] : memref<1000000x32xf32, #tpu.memory_space<hbm>> -> memref<1x32xf32, #tpu.memory_space<hbm>>
      %dma_start3A_119 = arith.constant 0 : i32
      %dma_start3A_120 = tpu.memref_slice %arg11[%add3A_114, %dma_start3A_119] : memref<512x32xf32, #tpu.memory_space<vmem>> -> memref<1x32xf32, #tpu.memory_space<vmem>>
      %dma_start3A_121 = arith.constant 0 : i32
      %dma_start3A_122 = tpu.memref_slice %arg3[%squeeze3A_110, %dma_start3A_121] : memref<1000000x32xf32, #tpu.memory_space<hbm>> -> memref<1x32xf32, #tpu.memory_space<hbm>>
      tpu.enqueue_dma source(%dma_start3A_122 : memref<1x32xf32, #tpu.memory_space<hbm>>) target(%dma_start3A_120 : memref<1x32xf32, #tpu.memory_space<vmem>>) target_semaphore(%arg12 : memref<!tpu.dma_semaphore, #tpu.memory_space<semaphore_mem>>)
      %slice3A_123 = vector.extract_strided_slice %get3A_41 {offsets = [6], sizes = [1], strides = [1]} : vector<16xi32> to vector<1xi32>
      %squeeze3A_124 = vector.extract %slice3A_123[0] : i32 from vector<1xi32>
      %mul3A_125 = arith.constant 16 : i32
      %mul3A_126 = arith.muli %scan3A_37, %mul3A_125 : i32
      %add3A_127 = arith.constant 6 : i32
      %add3A_128 = arith.addi %mul3A_126, %add3A_127 : i32
      %dma_start3A_129 = arith.constant 0 : i32
      %dma_start3A_130 = tpu.memref_slice %arg11[%add3A_128, %dma_start3A_129] : memref<512x32xf32, #tpu.memory_space<vmem>> -> memref<1x32xf32, #tpu.memory_space<vmem>>
      %dma_start3A_131 = arith.constant 0 : i32
      %dma_start3A_132 = tpu.memref_slice %arg3[%squeeze3A_124, %dma_start3A_131] : memref<1000000x32xf32, #tpu.memory_space<hbm>> -> memref<1x32xf32, #tpu.memory_space<hbm>>
      %dma_start3A_133 = arith.constant 0 : i32
      %dma_start3A_134 = tpu.memref_slice %arg11[%add3A_128, %dma_start3A_133] : memref<512x32xf32, #tpu.memory_space<vmem>> -> memref<1x32xf32, #tpu.memory_space<vmem>>
      %dma_start3A_135 = arith.constant 0 : i32
      %dma_start3A_136 = tpu.memref_slice %arg3[%squeeze3A_124, %dma_start3A_135] : memref<1000000x32xf32, #tpu.memory_space<hbm>> -> memref<1x32xf32, #tpu.memory_space<hbm>>
      tpu.enqueue_dma source(%dma_start3A_136 : memref<1x32xf32, #tpu.memory_space<hbm>>) target(%dma_start3A_134 : memref<1x32xf32, #tpu.memory_space<vmem>>) target_semaphore(%arg12 : memref<!tpu.dma_semaphore, #tpu.memory_space<semaphore_mem>>)
      %slice3A_137 = vector.extract_strided_slice %get3A_41 {offsets = [7], sizes = [1], strides = [1]} : vector<16xi32> to vector<1xi32>
      %squeeze3A_138 = vector.extract %slice3A_137[0] : i32 from vector<1xi32>
      %mul3A_139 = arith.constant 16 : i32
      %mul3A_140 = arith.muli %scan3A_37, %mul3A_139 : i32
      %add3A_141 = arith.constant 7 : i32
      %add3A_142 = arith.addi %mul3A_140, %add3A_141 : i32
      %dma_start3A_143 = arith.constant 0 : i32
      %dma_start3A_144 = tpu.memref_slice %arg11[%add3A_142, %dma_start3A_143] : memref<512x32xf32, #tpu.memory_space<vmem>> -> memref<1x32xf32, #tpu.memory_space<vmem>>
      %dma_start3A_145 = arith.constant 0 : i32
      %dma_start3A_146 = tpu.memref_slice %arg3[%squeeze3A_138, %dma_start3A_145] : memref<1000000x32xf32, #tpu.memory_space<hbm>> -> memref<1x32xf32, #tpu.memory_space<hbm>>
      %dma_start3A_147 = arith.constant 0 : i32
      %dma_start3A_148 = tpu.memref_slice %arg11[%add3A_142, %dma_start3A_147] : memref<512x32xf32, #tpu.memory_space<vmem>> -> memref<1x32xf32, #tpu.memory_space<vmem>>
      %dma_start3A_149 = arith.constant 0 : i32
      %dma_start3A_150 = tpu.memref_slice %arg3[%squeeze3A_138, %dma_start3A_149] : memref<1000000x32xf32, #tpu.memory_space<hbm>> -> memref<1x32xf32, #tpu.memory_space<hbm>>
      tpu.enqueue_dma source(%dma_start3A_150 : memref<1x32xf32, #tpu.memory_space<hbm>>) target(%dma_start3A_148 : memref<1x32xf32, #tpu.memory_space<vmem>>) target_semaphore(%arg12 : memref<!tpu.dma_semaphore, #tpu.memory_space<semaphore_mem>>)
      %slice3A_151 = vector.extract_strided_slice %get3A_41 {offsets = [8], sizes = [1], strides = [1]} : vector<16xi32> to vector<1xi32>
      %squeeze3A_152 = vector.extract %slice3A_151[0] : i32 from vector<1xi32>
      %mul3A_153 = arith.constant 16 : i32
      %mul3A_154 = arith.muli %scan3A_37, %mul3A_153 : i32
      %add3A_155 = arith.constant 8 : i32
      %add3A_156 = arith.addi %mul3A_154, %add3A_155 : i32
      %dma_start3A_157 = arith.constant 0 : i32
      %dma_start3A_158 = tpu.memref_slice %arg11[%add3A_156, %dma_start3A_157] : memref<512x32xf32, #tpu.memory_space<vmem>> -> memref<1x32xf32, #tpu.memory_space<vmem>>
      %dma_start3A_159 = arith.constant 0 : i32
      %dma_start3A_160 = tpu.memref_slice %arg3[%squeeze3A_152, %dma_start3A_159] : memref<1000000x32xf32, #tpu.memory_space<hbm>> -> memref<1x32xf32, #tpu.memory_space<hbm>>
      %dma_start3A_161 = arith.constant 0 : i32
      %dma_start3A_162 = tpu.memref_slice %arg11[%add3A_156, %dma_start3A_161] : memref<512x32xf32, #tpu.memory_space<vmem>> -> memref<1x32xf32, #tpu.memory_space<vmem>>
      %dma_start3A_163 = arith.constant 0 : i32
      %dma_start3A_164 = tpu.memref_slice %arg3[%squeeze3A_152, %dma_start3A_163] : memref<1000000x32xf32, #tpu.memory_space<hbm>> -> memref<1x32xf32, #tpu.memory_space<hbm>>
      tpu.enqueue_dma source(%dma_start3A_164 : memref<1x32xf32, #tpu.memory_space<hbm>>) target(%dma_start3A_162 : memref<1x32xf32, #tpu.memory_space<vmem>>) target_semaphore(%arg12 : memref<!tpu.dma_semaphore, #tpu.memory_space<semaphore_mem>>)
      %slice3A_165 = vector.extract_strided_slice %get3A_41 {offsets = [9], sizes = [1], strides = [1]} : vector<16xi32> to vector<1xi32>
      %squeeze3A_166 = vector.extract %slice3A_165[0] : i32 from vector<1xi32>
      %mul3A_167 = arith.constant 16 : i32
      %mul3A_168 = arith.muli %scan3A_37, %mul3A_167 : i32
      %add3A_169 = arith.constant 9 : i32
      %add3A_170 = arith.addi %mul3A_168, %add3A_169 : i32
      %dma_start3A_171 = arith.constant 0 : i32
      %dma_start3A_172 = tpu.memref_slice %arg11[%add3A_170, %dma_start3A_171] : memref<512x32xf32, #tpu.memory_space<vmem>> -> memref<1x32xf32, #tpu.memory_space<vmem>>
      %dma_start3A_173 = arith.constant 0 : i32
      %dma_start3A_174 = tpu.memref_slice %arg3[%squeeze3A_166, %dma_start3A_173] : memref<1000000x32xf32, #tpu.memory_space<hbm>> -> memref<1x32xf32, #tpu.memory_space<hbm>>
      %dma_start3A_175 = arith.constant 0 : i32
      %dma_start3A_176 = tpu.memref_slice %arg11[%add3A_170, %dma_start3A_175] : memref<512x32xf32, #tpu.memory_space<vmem>> -> memref<1x32xf32, #tpu.memory_space<vmem>>
      %dma_start3A_177 = arith.constant 0 : i32
      %dma_start3A_178 = tpu.memref_slice %arg3[%squeeze3A_166, %dma_start3A_177] : memref<1000000x32xf32, #tpu.memory_space<hbm>> -> memref<1x32xf32, #tpu.memory_space<hbm>>
      tpu.enqueue_dma source(%dma_start3A_178 : memref<1x32xf32, #tpu.memory_space<hbm>>) target(%dma_start3A_176 : memref<1x32xf32, #tpu.memory_space<vmem>>) target_semaphore(%arg12 : memref<!tpu.dma_semaphore, #tpu.memory_space<semaphore_mem>>)
      %slice3A_179 = vector.extract_strided_slice %get3A_41 {offsets = [10], sizes = [1], strides = [1]} : vector<16xi32> to vector<1xi32>
      %squeeze3A_180 = vector.extract %slice3A_179[0] : i32 from vector<1xi32>
      %mul3A_181 = arith.constant 16 : i32
      %mul3A_182 = arith.muli %scan3A_37, %mul3A_181 : i32
      %add3A_183 = arith.constant 10 : i32
      %add3A_184 = arith.addi %mul3A_182, %add3A_183 : i32
      %dma_start3A_185 = arith.constant 0 : i32
      %dma_start3A_186 = tpu.memref_slice %arg11[%add3A_184, %dma_start3A_185] : memref<512x32xf32, #tpu.memory_space<vmem>> -> memref<1x32xf32, #tpu.memory_space<vmem>>
      %dma_start3A_187 = arith.constant 0 : i32
      %dma_start3A_188 = tpu.memref_slice %arg3[%squeeze3A_180, %dma_start3A_187] : memref<1000000x32xf32, #tpu.memory_space<hbm>> -> memref<1x32xf32, #tpu.memory_space<hbm>>
      %dma_start3A_189 = arith.constant 0 : i32
      %dma_start3A_190 = tpu.memref_slice %arg11[%add3A_184, %dma_start3A_189] : memref<512x32xf32, #tpu.memory_space<vmem>> -> memref<1x32xf32, #tpu.memory_space<vmem>>
      %dma_start3A_191 = arith.constant 0 : i32
      %dma_start3A_192 = tpu.memref_slice %arg3[%squeeze3A_180, %dma_start3A_191] : memref<1000000x32xf32, #tpu.memory_space<hbm>> -> memref<1x32xf32, #tpu.memory_space<hbm>>
      tpu.enqueue_dma source(%dma_start3A_192 : memref<1x32xf32, #tpu.memory_space<hbm>>) target(%dma_start3A_190 : memref<1x32xf32, #tpu.memory_space<vmem>>) target_semaphore(%arg12 : memref<!tpu.dma_semaphore, #tpu.memory_space<semaphore_mem>>)
      %slice3A_193 = vector.extract_strided_slice %get3A_41 {offsets = [11], sizes = [1], strides = [1]} : vector<16xi32> to vector<1xi32>
      %squeeze3A_194 = vector.extract %slice3A_193[0] : i32 from vector<1xi32>
      %mul3A_195 = arith.constant 16 : i32
      %mul3A_196 = arith.muli %scan3A_37, %mul3A_195 : i32
      %add3A_197 = arith.constant 11 : i32
      %add3A_198 = arith.addi %mul3A_196, %add3A_197 : i32
      %dma_start3A_199 = arith.constant 0 : i32
      %dma_start3A_200 = tpu.memref_slice %arg11[%add3A_198, %dma_start3A_199] : memref<512x32xf32, #tpu.memory_space<vmem>> -> memref<1x32xf32, #tpu.memory_space<vmem>>
      %dma_start3A_201 = arith.constant 0 : i32
      %dma_start3A_202 = tpu.memref_slice %arg3[%squeeze3A_194, %dma_start3A_201] : memref<1000000x32xf32, #tpu.memory_space<hbm>> -> memref<1x32xf32, #tpu.memory_space<hbm>>
      %dma_start3A_203 = arith.constant 0 : i32
      %dma_start3A_204 = tpu.memref_slice %arg11[%add3A_198, %dma_start3A_203] : memref<512x32xf32, #tpu.memory_space<vmem>> -> memref<1x32xf32, #tpu.memory_space<vmem>>
      %dma_start3A_205 = arith.constant 0 : i32
      %dma_start3A_206 = tpu.memref_slice %arg3[%squeeze3A_194, %dma_start3A_205] : memref<1000000x32xf32, #tpu.memory_space<hbm>> -> memref<1x32xf32, #tpu.memory_space<hbm>>
      tpu.enqueue_dma source(%dma_start3A_206 : memref<1x32xf32, #tpu.memory_space<hbm>>) target(%dma_start3A_204 : memref<1x32xf32, #tpu.memory_space<vmem>>) target_semaphore(%arg12 : memref<!tpu.dma_semaphore, #tpu.memory_space<semaphore_mem>>)
      %slice3A_207 = vector.extract_strided_slice %get3A_41 {offsets = [12], sizes = [1], strides = [1]} : vector<16xi32> to vector<1xi32>
      %squeeze3A_208 = vector.extract %slice3A_207[0] : i32 from vector<1xi32>
      %mul3A_209 = arith.constant 16 : i32
      %mul3A_210 = arith.muli %scan3A_37, %mul3A_209 : i32
      %add3A_211 = arith.constant 12 : i32
      %add3A_212 = arith.addi %mul3A_210, %add3A_211 : i32
      %dma_start3A_213 = arith.constant 0 : i32
      %dma_start3A_214 = tpu.memref_slice %arg11[%add3A_212, %dma_start3A_213] : memref<512x32xf32, #tpu.memory_space<vmem>> -> memref<1x32xf32, #tpu.memory_space<vmem>>
      %dma_start3A_215 = arith.constant 0 : i32
      %dma_start3A_216 = tpu.memref_slice %arg3[%squeeze3A_208, %dma_start3A_215] : memref<1000000x32xf32, #tpu.memory_space<hbm>> -> memref<1x32xf32, #tpu.memory_space<hbm>>
      %dma_start3A_217 = arith.constant 0 : i32
      %dma_start3A_218 = tpu.memref_slice %arg11[%add3A_212, %dma_start3A_217] : memref<512x32xf32, #tpu.memory_space<vmem>> -> memref<1x32xf32, #tpu.memory_space<vmem>>
      %dma_start3A_219 = arith.constant 0 : i32
      %dma_start3A_220 = tpu.memref_slice %arg3[%squeeze3A_208, %dma_start3A_219] : memref<1000000x32xf32, #tpu.memory_space<hbm>> -> memref<1x32xf32, #tpu.memory_space<hbm>>
      tpu.enqueue_dma source(%dma_start3A_220 : memref<1x32xf32, #tpu.memory_space<hbm>>) target(%dma_start3A_218 : memref<1x32xf32, #tpu.memory_space<vmem>>) target_semaphore(%arg12 : memref<!tpu.dma_semaphore, #tpu.memory_space<semaphore_mem>>)
      %slice3A_221 = vector.extract_strided_slice %get3A_41 {offsets = [13], sizes = [1], strides = [1]} : vector<16xi32> to vector<1xi32>
      %squeeze3A_222 = vector.extract %slice3A_221[0] : i32 from vector<1xi32>
      %mul3A_223 = arith.constant 16 : i32
      %mul3A_224 = arith.muli %scan3A_37, %mul3A_223 : i32
      %add3A_225 = arith.constant 13 : i32
      %add3A_226 = arith.addi %mul3A_224, %add3A_225 : i32
      %dma_start3A_227 = arith.constant 0 : i32
      %dma_start3A_228 = tpu.memref_slice %arg11[%add3A_226, %dma_start3A_227] : memref<512x32xf32, #tpu.memory_space<vmem>> -> memref<1x32xf32, #tpu.memory_space<vmem>>
      %dma_start3A_229 = arith.constant 0 : i32
      %dma_start3A_230 = tpu.memref_slice %arg3[%squeeze3A_222, %dma_start3A_229] : memref<1000000x32xf32, #tpu.memory_space<hbm>> -> memref<1x32xf32, #tpu.memory_space<hbm>>
      %dma_start3A_231 = arith.constant 0 : i32
      %dma_start3A_232 = tpu.memref_slice %arg11[%add3A_226, %dma_start3A_231] : memref<512x32xf32, #tpu.memory_space<vmem>> -> memref<1x32xf32, #tpu.memory_space<vmem>>
      %dma_start3A_233 = arith.constant 0 : i32
      %dma_start3A_234 = tpu.memref_slice %arg3[%squeeze3A_222, %dma_start3A_233] : memref<1000000x32xf32, #tpu.memory_space<hbm>> -> memref<1x32xf32, #tpu.memory_space<hbm>>
      tpu.enqueue_dma source(%dma_start3A_234 : memref<1x32xf32, #tpu.memory_space<hbm>>) target(%dma_start3A_232 : memref<1x32xf32, #tpu.memory_space<vmem>>) target_semaphore(%arg12 : memref<!tpu.dma_semaphore, #tpu.memory_space<semaphore_mem>>)
      %slice3A_235 = vector.extract_strided_slice %get3A_41 {offsets = [14], sizes = [1], strides = [1]} : vector<16xi32> to vector<1xi32>
      %squeeze3A_236 = vector.extract %slice3A_235[0] : i32 from vector<1xi32>
      %mul3A_237 = arith.constant 16 : i32
      %mul3A_238 = arith.muli %scan3A_37, %mul3A_237 : i32
      %add3A_239 = arith.constant 14 : i32
      %add3A_240 = arith.addi %mul3A_238, %add3A_239 : i32
      %dma_start3A_241 = arith.constant 0 : i32
      %dma_start3A_242 = tpu.memref_slice %arg11[%add3A_240, %dma_start3A_241] : memref<512x32xf32, #tpu.memory_space<vmem>> -> memref<1x32xf32, #tpu.memory_space<vmem>>
      %dma_start3A_243 = arith.constant 0 : i32
      %dma_start3A_244 = tpu.memref_slice %arg3[%squeeze3A_236, %dma_start3A_243] : memref<1000000x32xf32, #tpu.memory_space<hbm>> -> memref<1x32xf32, #tpu.memory_space<hbm>>
      %dma_start3A_245 = arith.constant 0 : i32
      %dma_start3A_246 = tpu.memref_slice %arg11[%add3A_240, %dma_start3A_245] : memref<512x32xf32, #tpu.memory_space<vmem>> -> memref<1x32xf32, #tpu.memory_space<vmem>>
      %dma_start3A_247 = arith.constant 0 : i32
      %dma_start3A_248 = tpu.memref_slice %arg3[%squeeze3A_236, %dma_start3A_247] : memref<1000000x32xf32, #tpu.memory_space<hbm>> -> memref<1x32xf32, #tpu.memory_space<hbm>>
      tpu.enqueue_dma source(%dma_start3A_248 : memref<1x32xf32, #tpu.memory_space<hbm>>) target(%dma_start3A_246 : memref<1x32xf32, #tpu.memory_space<vmem>>) target_semaphore(%arg12 : memref<!tpu.dma_semaphore, #tpu.memory_space<semaphore_mem>>)
      %slice3A_249 = vector.extract_strided_slice %get3A_41 {offsets = [15], sizes = [1], strides = [1]} : vector<16xi32> to vector<1xi32>
      %squeeze3A_250 = vector.extract %slice3A_249[0] : i32 from vector<1xi32>
      %mul3A_251 = arith.constant 16 : i32
      %mul3A_252 = arith.muli %scan3A_37, %mul3A_251 : i32
      %add3A_253 = arith.constant 15 : i32
      %add3A_254 = arith.addi %mul3A_252, %add3A_253 : i32
      %dma_start3A_255 = arith.constant 0 : i32
      %dma_start3A_256 = tpu.memref_slice %arg11[%add3A_254, %dma_start3A_255] : memref<512x32xf32, #tpu.memory_space<vmem>> -> memref<1x32xf32, #tpu.memory_space<vmem>>
      %dma_start3A_257 = arith.constant 0 : i32
      %dma_start3A_258 = tpu.memref_slice %arg3[%squeeze3A_250, %dma_start3A_257] : memref<1000000x32xf32, #tpu.memory_space<hbm>> -> memref<1x32xf32, #tpu.memory_space<hbm>>
      %dma_start3A_259 = arith.constant 0 : i32
      %dma_start3A_260 = tpu.memref_slice %arg11[%add3A_254, %dma_start3A_259] : memref<512x32xf32, #tpu.memory_space<vmem>> -> memref<1x32xf32, #tpu.memory_space<vmem>>
      %dma_start3A_261 = arith.constant 0 : i32
      %dma_start3A_262 = tpu.memref_slice %arg3[%squeeze3A_250, %dma_start3A_261] : memref<1000000x32xf32, #tpu.memory_space<hbm>> -> memref<1x32xf32, #tpu.memory_space<hbm>>
      tpu.enqueue_dma source(%dma_start3A_262 : memref<1x32xf32, #tpu.memory_space<hbm>>) target(%dma_start3A_260 : memref<1x32xf32, #tpu.memory_space<vmem>>) target_semaphore(%arg12 : memref<!tpu.dma_semaphore, #tpu.memory_space<semaphore_mem>>)
    }
    %scan3A_18 = arith.constant 32 : i32
    %dma_wait3A_19 = arith.constant 0 : i32
    %dma_wait3A_20 = arith.constant 0 : i32
    %dma_wait3A_21 = tpu.memref_slice %arg3[%dma_wait3A_19, %dma_wait3A_20] : memref<1000000x32xf32, #tpu.memory_space<hbm>> -> memref<512x32xf32, #tpu.memory_space<hbm>>
    %dma_wait3A_22 = arith.constant 0 : i32
    %dma_wait3A_23 = arith.constant 0 : i32
    %dma_wait3A_24 = tpu.memref_slice %arg3[%dma_wait3A_22, %dma_wait3A_23] : memref<1000000x32xf32, #tpu.memory_space<hbm>> -> memref<512x32xf32, #tpu.memory_space<hbm>>
    tpu.wait_dma2 semaphore(%arg12 : memref<!tpu.dma_semaphore, #tpu.memory_space<semaphore_mem>>) src(%dma_wait3A_24 : memref<512x32xf32, #tpu.memory_space<hbm>>) dst(%arg11 : memref<512x32xf32, #tpu.memory_space<vmem>>)
    "tpu.region"() ({
      %run_scoped3A = tpu.sem_alloc : memref<!tpu.dma_semaphore, #tpu.memory_space<semaphore_mem>>
      %dma_start3A = arith.constant 0 : i32
      %dma_start3A_37 = tpu.memref_slice %arg8[%mul3A_2, %dma_start3A] : memref<16384x32xf32, #tpu.memory_space<hbm>> -> memref<512x32xf32, #tpu.memory_space<hbm>>
      %dma_start3A_38 = arith.constant 0 : i32
      %dma_start3A_39 = tpu.memref_slice %arg8[%mul3A_2, %dma_start3A_38] : memref<16384x32xf32, #tpu.memory_space<hbm>> -> memref<512x32xf32, #tpu.memory_space<hbm>>
      tpu.enqueue_dma source(%arg11 : memref<512x32xf32, #tpu.memory_space<vmem>>) target(%dma_start3A_39 : memref<512x32xf32, #tpu.memory_space<hbm>>) target_semaphore(%run_scoped3A : memref<!tpu.dma_semaphore, #tpu.memory_space<semaphore_mem>>)
      %dma_wait3A_40 = arith.constant 0 : i32
      %dma_wait3A_41 = tpu.memref_slice %arg8[%mul3A_2, %dma_wait3A_40] : memref<16384x32xf32, #tpu.memory_space<hbm>> -> memref<512x32xf32, #tpu.memory_space<hbm>>
      %dma_wait3A_42 = arith.constant 0 : i32
      %dma_wait3A_43 = tpu.memref_slice %arg8[%mul3A_2, %dma_wait3A_42] : memref<16384x32xf32, #tpu.memory_space<hbm>> -> memref<512x32xf32, #tpu.memory_space<hbm>>
      tpu.wait_dma2 semaphore(%run_scoped3A : memref<!tpu.dma_semaphore, #tpu.memory_space<semaphore_mem>>) src(%arg11 : memref<512x32xf32, #tpu.memory_space<vmem>>) dst(%dma_wait3A_43 : memref<512x32xf32, #tpu.memory_space<hbm>>)
      tpu.yield
    }) : () -> ()
    "tpu.region"() ({
      %run_scoped3A = tpu.sem_alloc : memref<!tpu.dma_semaphore, #tpu.memory_space<semaphore_mem>>
      %dma_start3A = tpu.memref_slice %arg6[%mul3A_2] : memref<16384xi32, #tpu.memory_space<hbm>> -> memref<512xi32, #tpu.memory_space<hbm>>
      %dma_start3A_37 = tpu.memref_slice %arg6[%mul3A_2] : memref<16384xi32, #tpu.memory_space<hbm>> -> memref<512xi32, #tpu.memory_space<hbm>>
      tpu.enqueue_dma source(%dma_start3A_37 : memref<512xi32, #tpu.memory_space<hbm>>) target(%arg10 : memref<512xi32, #tpu.memory_space<vmem>>) target_semaphore(%run_scoped3A : memref<!tpu.dma_semaphore, #tpu.memory_space<semaphore_mem>>)
      %dma_wait3A_38 = tpu.memref_slice %arg6[%mul3A_2] : memref<16384xi32, #tpu.memory_space<hbm>> -> memref<512xi32, #tpu.memory_space<hbm>>
      %dma_wait3A_39 = tpu.memref_slice %arg6[%mul3A_2] : memref<16384xi32, #tpu.memory_space<hbm>> -> memref<512xi32, #tpu.memory_space<hbm>>
      tpu.wait_dma2 semaphore(%run_scoped3A : memref<!tpu.dma_semaphore, #tpu.memory_space<semaphore_mem>>) src(%dma_wait3A_39 : memref<512xi32, #tpu.memory_space<hbm>>) dst(%arg10 : memref<512xi32, #tpu.memory_space<vmem>>)
      tpu.yield
    }) : () -> ()
    %scan3A_25 = arith.constant 0 : i32
    %scan3A_26 = arith.constant 0 : i32
    %scan3A_27 = arith.constant 32 : i32
    %scan3A_28 = arith.addi %scan3A_26, %scan3A_27 : i32
    %scan3A_29 = arith.constant 1 : i32
    scf.for %scan3A_37 = %scan3A_26 to %scan3A_28 step %scan3A_29  : i32 {
      %mul3A_38 = arith.constant 16 : i32
      %mul3A_39 = arith.muli %scan3A_37, %mul3A_38 : i32
      %get3A = arith.index_cast %mul3A_39 : i32 to index
      %get3A_40 = tpu.vector_load %arg10[%get3A] {strides = array<i32>} : memref<512xi32, #tpu.memory_space<vmem>>, vector<16xi32>,
      %get3A_41 = vector.shape_cast %get3A_40 : vector<16xi32> to vector<16xi32>
      %slice3A = vector.extract_strided_slice %get3A_41 {offsets = [0], sizes = [1], strides = [1]} : vector<16xi32> to vector<1xi32>
      %squeeze3A = vector.extract %slice3A[0] : i32 from vector<1xi32>
      %mul3A_42 = arith.constant 16 : i32
      %mul3A_43 = arith.muli %scan3A_37, %mul3A_42 : i32
      %add3A_44 = arith.constant 0 : i32
      %add3A_45 = arith.addi %mul3A_43, %add3A_44 : i32
      %dma_start3A = arith.constant 0 : i32
      %dma_start3A_46 = tpu.memref_slice %arg11[%add3A_45, %dma_start3A] : memref<512x32xf32, #tpu.memory_space<vmem>> -> memref<1x32xf32, #tpu.memory_space<vmem>>
      %dma_start3A_47 = arith.constant 0 : i32
      %dma_start3A_48 = tpu.memref_slice %arg3[%squeeze3A, %dma_start3A_47] : memref<1000000x32xf32, #tpu.memory_space<hbm>> -> memref<1x32xf32, #tpu.memory_space<hbm>>
      %dma_start3A_49 = arith.constant 0 : i32
      %dma_start3A_50 = tpu.memref_slice %arg11[%add3A_45, %dma_start3A_49] : memref<512x32xf32, #tpu.memory_space<vmem>> -> memref<1x32xf32, #tpu.memory_space<vmem>>
      %dma_start3A_51 = arith.constant 0 : i32
      %dma_start3A_52 = tpu.memref_slice %arg3[%squeeze3A, %dma_start3A_51] : memref<1000000x32xf32, #tpu.memory_space<hbm>> -> memref<1x32xf32, #tpu.memory_space<hbm>>
      tpu.enqueue_dma source(%dma_start3A_52 : memref<1x32xf32, #tpu.memory_space<hbm>>) target(%dma_start3A_50 : memref<1x32xf32, #tpu.memory_space<vmem>>) target_semaphore(%arg12 : memref<!tpu.dma_semaphore, #tpu.memory_space<semaphore_mem>>)
      %slice3A_53 = vector.extract_strided_slice %get3A_41 {offsets = [1], sizes = [1], strides = [1]} : vector<16xi32> to vector<1xi32>
      %squeeze3A_54 = vector.extract %slice3A_53[0] : i32 from vector<1xi32>
      %mul3A_55 = arith.constant 16 : i32
      %mul3A_56 = arith.muli %scan3A_37, %mul3A_55 : i32
      %add3A_57 = arith.constant 1 : i32
      %add3A_58 = arith.addi %mul3A_56, %add3A_57 : i32
      %dma_start3A_59 = arith.constant 0 : i32
      %dma_start3A_60 = tpu.memref_slice %arg11[%add3A_58, %dma_start3A_59] : memref<512x32xf32, #tpu.memory_space<vmem>> -> memref<1x32xf32, #tpu.memory_space<vmem>>
      %dma_start3A_61 = arith.constant 0 : i32
      %dma_start3A_62 = tpu.memref_slice %arg3[%squeeze3A_54, %dma_start3A_61] : memref<1000000x32xf32, #tpu.memory_space<hbm>> -> memref<1x32xf32, #tpu.memory_space<hbm>>
      %dma_start3A_63 = arith.constant 0 : i32
      %dma_start3A_64 = tpu.memref_slice %arg11[%add3A_58, %dma_start3A_63] : memref<512x32xf32, #tpu.memory_space<vmem>> -> memref<1x32xf32, #tpu.memory_space<vmem>>
      %dma_start3A_65 = arith.constant 0 : i32
      %dma_start3A_66 = tpu.memref_slice %arg3[%squeeze3A_54, %dma_start3A_65] : memref<1000000x32xf32, #tpu.memory_space<hbm>> -> memref<1x32xf32, #tpu.memory_space<hbm>>
      tpu.enqueue_dma source(%dma_start3A_66 : memref<1x32xf32, #tpu.memory_space<hbm>>) target(%dma_start3A_64 : memref<1x32xf32, #tpu.memory_space<vmem>>) target_semaphore(%arg12 : memref<!tpu.dma_semaphore, #tpu.memory_space<semaphore_mem>>)
      %slice3A_67 = vector.extract_strided_slice %get3A_41 {offsets = [2], sizes = [1], strides = [1]} : vector<16xi32> to vector<1xi32>
      %squeeze3A_68 = vector.extract %slice3A_67[0] : i32 from vector<1xi32>
      %mul3A_69 = arith.constant 16 : i32
      %mul3A_70 = arith.muli %scan3A_37, %mul3A_69 : i32
      %add3A_71 = arith.constant 2 : i32
      %add3A_72 = arith.addi %mul3A_70, %add3A_71 : i32
      %dma_start3A_73 = arith.constant 0 : i32
      %dma_start3A_74 = tpu.memref_slice %arg11[%add3A_72, %dma_start3A_73] : memref<512x32xf32, #tpu.memory_space<vmem>> -> memref<1x32xf32, #tpu.memory_space<vmem>>
      %dma_start3A_75 = arith.constant 0 : i32
      %dma_start3A_76 = tpu.memref_slice %arg3[%squeeze3A_68, %dma_start3A_75] : memref<1000000x32xf32, #tpu.memory_space<hbm>> -> memref<1x32xf32, #tpu.memory_space<hbm>>
      %dma_start3A_77 = arith.constant 0 : i32
      %dma_start3A_78 = tpu.memref_slice %arg11[%add3A_72, %dma_start3A_77] : memref<512x32xf32, #tpu.memory_space<vmem>> -> memref<1x32xf32, #tpu.memory_space<vmem>>
      %dma_start3A_79 = arith.constant 0 : i32
      %dma_start3A_80 = tpu.memref_slice %arg3[%squeeze3A_68, %dma_start3A_79] : memref<1000000x32xf32, #tpu.memory_space<hbm>> -> memref<1x32xf32, #tpu.memory_space<hbm>>
      tpu.enqueue_dma source(%dma_start3A_80 : memref<1x32xf32, #tpu.memory_space<hbm>>) target(%dma_start3A_78 : memref<1x32xf32, #tpu.memory_space<vmem>>) target_semaphore(%arg12 : memref<!tpu.dma_semaphore, #tpu.memory_space<semaphore_mem>>)
      %slice3A_81 = vector.extract_strided_slice %get3A_41 {offsets = [3], sizes = [1], strides = [1]} : vector<16xi32> to vector<1xi32>
      %squeeze3A_82 = vector.extract %slice3A_81[0] : i32 from vector<1xi32>
      %mul3A_83 = arith.constant 16 : i32
      %mul3A_84 = arith.muli %scan3A_37, %mul3A_83 : i32
      %add3A_85 = arith.constant 3 : i32
      %add3A_86 = arith.addi %mul3A_84, %add3A_85 : i32
      %dma_start3A_87 = arith.constant 0 : i32
      %dma_start3A_88 = tpu.memref_slice %arg11[%add3A_86, %dma_start3A_87] : memref<512x32xf32, #tpu.memory_space<vmem>> -> memref<1x32xf32, #tpu.memory_space<vmem>>
      %dma_start3A_89 = arith.constant 0 : i32
      %dma_start3A_90 = tpu.memref_slice %arg3[%squeeze3A_82, %dma_start3A_89] : memref<1000000x32xf32, #tpu.memory_space<hbm>> -> memref<1x32xf32, #tpu.memory_space<hbm>>
      %dma_start3A_91 = arith.constant 0 : i32
      %dma_start3A_92 = tpu.memref_slice %arg11[%add3A_86, %dma_start3A_91] : memref<512x32xf32, #tpu.memory_space<vmem>> -> memref<1x32xf32, #tpu.memory_space<vmem>>
      %dma_start3A_93 = arith.constant 0 : i32
      %dma_start3A_94 = tpu.memref_slice %arg3[%squeeze3A_82, %dma_start3A_93] : memref<1000000x32xf32, #tpu.memory_space<hbm>> -> memref<1x32xf32, #tpu.memory_space<hbm>>
      tpu.enqueue_dma source(%dma_start3A_94 : memref<1x32xf32, #tpu.memory_space<hbm>>) target(%dma_start3A_92 : memref<1x32xf32, #tpu.memory_space<vmem>>) target_semaphore(%arg12 : memref<!tpu.dma_semaphore, #tpu.memory_space<semaphore_mem>>)
      %slice3A_95 = vector.extract_strided_slice %get3A_41 {offsets = [4], sizes = [1], strides = [1]} : vector<16xi32> to vector<1xi32>
      %squeeze3A_96 = vector.extract %slice3A_95[0] : i32 from vector<1xi32>
      %mul3A_97 = arith.constant 16 : i32
      %mul3A_98 = arith.muli %scan3A_37, %mul3A_97 : i32
      %add3A_99 = arith.constant 4 : i32
      %add3A_100 = arith.addi %mul3A_98, %add3A_99 : i32
      %dma_start3A_101 = arith.constant 0 : i32
      %dma_start3A_102 = tpu.memref_slice %arg11[%add3A_100, %dma_start3A_101] : memref<512x32xf32, #tpu.memory_space<vmem>> -> memref<1x32xf32, #tpu.memory_space<vmem>>
      %dma_start3A_103 = arith.constant 0 : i32
      %dma_start3A_104 = tpu.memref_slice %arg3[%squeeze3A_96, %dma_start3A_103] : memref<1000000x32xf32, #tpu.memory_space<hbm>> -> memref<1x32xf32, #tpu.memory_space<hbm>>
      %dma_start3A_105 = arith.constant 0 : i32
      %dma_start3A_106 = tpu.memref_slice %arg11[%add3A_100, %dma_start3A_105] : memref<512x32xf32, #tpu.memory_space<vmem>> -> memref<1x32xf32, #tpu.memory_space<vmem>>
      %dma_start3A_107 = arith.constant 0 : i32
      %dma_start3A_108 = tpu.memref_slice %arg3[%squeeze3A_96, %dma_start3A_107] : memref<1000000x32xf32, #tpu.memory_space<hbm>> -> memref<1x32xf32, #tpu.memory_space<hbm>>
      tpu.enqueue_dma source(%dma_start3A_108 : memref<1x32xf32, #tpu.memory_space<hbm>>) target(%dma_start3A_106 : memref<1x32xf32, #tpu.memory_space<vmem>>) target_semaphore(%arg12 : memref<!tpu.dma_semaphore, #tpu.memory_space<semaphore_mem>>)
      %slice3A_109 = vector.extract_strided_slice %get3A_41 {offsets = [5], sizes = [1], strides = [1]} : vector<16xi32> to vector<1xi32>
      %squeeze3A_110 = vector.extract %slice3A_109[0] : i32 from vector<1xi32>
      %mul3A_111 = arith.constant 16 : i32
      %mul3A_112 = arith.muli %scan3A_37, %mul3A_111 : i32
      %add3A_113 = arith.constant 5 : i32
      %add3A_114 = arith.addi %mul3A_112, %add3A_113 : i32
      %dma_start3A_115 = arith.constant 0 : i32
      %dma_start3A_116 = tpu.memref_slice %arg11[%add3A_114, %dma_start3A_115] : memref<512x32xf32, #tpu.memory_space<vmem>> -> memref<1x32xf32, #tpu.memory_space<vmem>>
      %dma_start3A_117 = arith.constant 0 : i32
      %dma_start3A_118 = tpu.memref_slice %arg3[%squeeze3A_110, %dma_start3A_117] : memref<1000000x32xf32, #tpu.memory_space<hbm>> -> memref<1x32xf32, #tpu.memory_space<hbm>>
      %dma_start3A_119 = arith.constant 0 : i32
      %dma_start3A_120 = tpu.memref_slice %arg11[%add3A_114, %dma_start3A_119] : memref<512x32xf32, #tpu.memory_space<vmem>> -> memref<1x32xf32, #tpu.memory_space<vmem>>
      %dma_start3A_121 = arith.constant 0 : i32
      %dma_start3A_122 = tpu.memref_slice %arg3[%squeeze3A_110, %dma_start3A_121] : memref<1000000x32xf32, #tpu.memory_space<hbm>> -> memref<1x32xf32, #tpu.memory_space<hbm>>
      tpu.enqueue_dma source(%dma_start3A_122 : memref<1x32xf32, #tpu.memory_space<hbm>>) target(%dma_start3A_120 : memref<1x32xf32, #tpu.memory_space<vmem>>) target_semaphore(%arg12 : memref<!tpu.dma_semaphore, #tpu.memory_space<semaphore_mem>>)
      %slice3A_123 = vector.extract_strided_slice %get3A_41 {offsets = [6], sizes = [1], strides = [1]} : vector<16xi32> to vector<1xi32>
      %squeeze3A_124 = vector.extract %slice3A_123[0] : i32 from vector<1xi32>
      %mul3A_125 = arith.constant 16 : i32
      %mul3A_126 = arith.muli %scan3A_37, %mul3A_125 : i32
      %add3A_127 = arith.constant 6 : i32
      %add3A_128 = arith.addi %mul3A_126, %add3A_127 : i32
      %dma_start3A_129 = arith.constant 0 : i32
      %dma_start3A_130 = tpu.memref_slice %arg11[%add3A_128, %dma_start3A_129] : memref<512x32xf32, #tpu.memory_space<vmem>> -> memref<1x32xf32, #tpu.memory_space<vmem>>
      %dma_start3A_131 = arith.constant 0 : i32
      %dma_start3A_132 = tpu.memref_slice %arg3[%squeeze3A_124, %dma_start3A_131] : memref<1000000x32xf32, #tpu.memory_space<hbm>> -> memref<1x32xf32, #tpu.memory_space<hbm>>
      %dma_start3A_133 = arith.constant 0 : i32
      %dma_start3A_134 = tpu.memref_slice %arg11[%add3A_128, %dma_start3A_133] : memref<512x32xf32, #tpu.memory_space<vmem>> -> memref<1x32xf32, #tpu.memory_space<vmem>>
      %dma_start3A_135 = arith.constant 0 : i32
      %dma_start3A_136 = tpu.memref_slice %arg3[%squeeze3A_124, %dma_start3A_135] : memref<1000000x32xf32, #tpu.memory_space<hbm>> -> memref<1x32xf32, #tpu.memory_space<hbm>>
      tpu.enqueue_dma source(%dma_start3A_136 : memref<1x32xf32, #tpu.memory_space<hbm>>) target(%dma_start3A_134 : memref<1x32xf32, #tpu.memory_space<vmem>>) target_semaphore(%arg12 : memref<!tpu.dma_semaphore, #tpu.memory_space<semaphore_mem>>)
      %slice3A_137 = vector.extract_strided_slice %get3A_41 {offsets = [7], sizes = [1], strides = [1]} : vector<16xi32> to vector<1xi32>
      %squeeze3A_138 = vector.extract %slice3A_137[0] : i32 from vector<1xi32>
      %mul3A_139 = arith.constant 16 : i32
      %mul3A_140 = arith.muli %scan3A_37, %mul3A_139 : i32
      %add3A_141 = arith.constant 7 : i32
      %add3A_142 = arith.addi %mul3A_140, %add3A_141 : i32
      %dma_start3A_143 = arith.constant 0 : i32
      %dma_start3A_144 = tpu.memref_slice %arg11[%add3A_142, %dma_start3A_143] : memref<512x32xf32, #tpu.memory_space<vmem>> -> memref<1x32xf32, #tpu.memory_space<vmem>>
      %dma_start3A_145 = arith.constant 0 : i32
      %dma_start3A_146 = tpu.memref_slice %arg3[%squeeze3A_138, %dma_start3A_145] : memref<1000000x32xf32, #tpu.memory_space<hbm>> -> memref<1x32xf32, #tpu.memory_space<hbm>>
      %dma_start3A_147 = arith.constant 0 : i32
      %dma_start3A_148 = tpu.memref_slice %arg11[%add3A_142, %dma_start3A_147] : memref<512x32xf32, #tpu.memory_space<vmem>> -> memref<1x32xf32, #tpu.memory_space<vmem>>
      %dma_start3A_149 = arith.constant 0 : i32
      %dma_start3A_150 = tpu.memref_slice %arg3[%squeeze3A_138, %dma_start3A_149] : memref<1000000x32xf32, #tpu.memory_space<hbm>> -> memref<1x32xf32, #tpu.memory_space<hbm>>
      tpu.enqueue_dma source(%dma_start3A_150 : memref<1x32xf32, #tpu.memory_space<hbm>>) target(%dma_start3A_148 : memref<1x32xf32, #tpu.memory_space<vmem>>) target_semaphore(%arg12 : memref<!tpu.dma_semaphore, #tpu.memory_space<semaphore_mem>>)
      %slice3A_151 = vector.extract_strided_slice %get3A_41 {offsets = [8], sizes = [1], strides = [1]} : vector<16xi32> to vector<1xi32>
      %squeeze3A_152 = vector.extract %slice3A_151[0] : i32 from vector<1xi32>
      %mul3A_153 = arith.constant 16 : i32
      %mul3A_154 = arith.muli %scan3A_37, %mul3A_153 : i32
      %add3A_155 = arith.constant 8 : i32
      %add3A_156 = arith.addi %mul3A_154, %add3A_155 : i32
      %dma_start3A_157 = arith.constant 0 : i32
      %dma_start3A_158 = tpu.memref_slice %arg11[%add3A_156, %dma_start3A_157] : memref<512x32xf32, #tpu.memory_space<vmem>> -> memref<1x32xf32, #tpu.memory_space<vmem>>
      %dma_start3A_159 = arith.constant 0 : i32
      %dma_start3A_160 = tpu.memref_slice %arg3[%squeeze3A_152, %dma_start3A_159] : memref<1000000x32xf32, #tpu.memory_space<hbm>> -> memref<1x32xf32, #tpu.memory_space<hbm>>
      %dma_start3A_161 = arith.constant 0 : i32
      %dma_start3A_162 = tpu.memref_slice %arg11[%add3A_156, %dma_start3A_161] : memref<512x32xf32, #tpu.memory_space<vmem>> -> memref<1x32xf32, #tpu.memory_space<vmem>>
      %dma_start3A_163 = arith.constant 0 : i32
      %dma_start3A_164 = tpu.memref_slice %arg3[%squeeze3A_152, %dma_start3A_163] : memref<1000000x32xf32, #tpu.memory_space<hbm>> -> memref<1x32xf32, #tpu.memory_space<hbm>>
      tpu.enqueue_dma source(%dma_start3A_164 : memref<1x32xf32, #tpu.memory_space<hbm>>) target(%dma_start3A_162 : memref<1x32xf32, #tpu.memory_space<vmem>>) target_semaphore(%arg12 : memref<!tpu.dma_semaphore, #tpu.memory_space<semaphore_mem>>)
      %slice3A_165 = vector.extract_strided_slice %get3A_41 {offsets = [9], sizes = [1], strides = [1]} : vector<16xi32> to vector<1xi32>
      %squeeze3A_166 = vector.extract %slice3A_165[0] : i32 from vector<1xi32>
      %mul3A_167 = arith.constant 16 : i32
      %mul3A_168 = arith.muli %scan3A_37, %mul3A_167 : i32
      %add3A_169 = arith.constant 9 : i32
      %add3A_170 = arith.addi %mul3A_168, %add3A_169 : i32
      %dma_start3A_171 = arith.constant 0 : i32
      %dma_start3A_172 = tpu.memref_slice %arg11[%add3A_170, %dma_start3A_171] : memref<512x32xf32, #tpu.memory_space<vmem>> -> memref<1x32xf32, #tpu.memory_space<vmem>>
      %dma_start3A_173 = arith.constant 0 : i32
      %dma_start3A_174 = tpu.memref_slice %arg3[%squeeze3A_166, %dma_start3A_173] : memref<1000000x32xf32, #tpu.memory_space<hbm>> -> memref<1x32xf32, #tpu.memory_space<hbm>>
      %dma_start3A_175 = arith.constant 0 : i32
      %dma_start3A_176 = tpu.memref_slice %arg11[%add3A_170, %dma_start3A_175] : memref<512x32xf32, #tpu.memory_space<vmem>> -> memref<1x32xf32, #tpu.memory_space<vmem>>
      %dma_start3A_177 = arith.constant 0 : i32
      %dma_start3A_178 = tpu.memref_slice %arg3[%squeeze3A_166, %dma_start3A_177] : memref<1000000x32xf32, #tpu.memory_space<hbm>> -> memref<1x32xf32, #tpu.memory_space<hbm>>
      tpu.enqueue_dma source(%dma_start3A_178 : memref<1x32xf32, #tpu.memory_space<hbm>>) target(%dma_start3A_176 : memref<1x32xf32, #tpu.memory_space<vmem>>) target_semaphore(%arg12 : memref<!tpu.dma_semaphore, #tpu.memory_space<semaphore_mem>>)
      %slice3A_179 = vector.extract_strided_slice %get3A_41 {offsets = [10], sizes = [1], strides = [1]} : vector<16xi32> to vector<1xi32>
      %squeeze3A_180 = vector.extract %slice3A_179[0] : i32 from vector<1xi32>
      %mul3A_181 = arith.constant 16 : i32
      %mul3A_182 = arith.muli %scan3A_37, %mul3A_181 : i32
      %add3A_183 = arith.constant 10 : i32
      %add3A_184 = arith.addi %mul3A_182, %add3A_183 : i32
      %dma_start3A_185 = arith.constant 0 : i32
      %dma_start3A_186 = tpu.memref_slice %arg11[%add3A_184, %dma_start3A_185] : memref<512x32xf32, #tpu.memory_space<vmem>> -> memref<1x32xf32, #tpu.memory_space<vmem>>
      %dma_start3A_187 = arith.constant 0 : i32
      %dma_start3A_188 = tpu.memref_slice %arg3[%squeeze3A_180, %dma_start3A_187] : memref<1000000x32xf32, #tpu.memory_space<hbm>> -> memref<1x32xf32, #tpu.memory_space<hbm>>
      %dma_start3A_189 = arith.constant 0 : i32
      %dma_start3A_190 = tpu.memref_slice %arg11[%add3A_184, %dma_start3A_189] : memref<512x32xf32, #tpu.memory_space<vmem>> -> memref<1x32xf32, #tpu.memory_space<vmem>>
      %dma_start3A_191 = arith.constant 0 : i32
      %dma_start3A_192 = tpu.memref_slice %arg3[%squeeze3A_180, %dma_start3A_191] : memref<1000000x32xf32, #tpu.memory_space<hbm>> -> memref<1x32xf32, #tpu.memory_space<hbm>>
      tpu.enqueue_dma source(%dma_start3A_192 : memref<1x32xf32, #tpu.memory_space<hbm>>) target(%dma_start3A_190 : memref<1x32xf32, #tpu.memory_space<vmem>>) target_semaphore(%arg12 : memref<!tpu.dma_semaphore, #tpu.memory_space<semaphore_mem>>)
      %slice3A_193 = vector.extract_strided_slice %get3A_41 {offsets = [11], sizes = [1], strides = [1]} : vector<16xi32> to vector<1xi32>
      %squeeze3A_194 = vector.extract %slice3A_193[0] : i32 from vector<1xi32>
      %mul3A_195 = arith.constant 16 : i32
      %mul3A_196 = arith.muli %scan3A_37, %mul3A_195 : i32
      %add3A_197 = arith.constant 11 : i32
      %add3A_198 = arith.addi %mul3A_196, %add3A_197 : i32
      %dma_start3A_199 = arith.constant 0 : i32
      %dma_start3A_200 = tpu.memref_slice %arg11[%add3A_198, %dma_start3A_199] : memref<512x32xf32, #tpu.memory_space<vmem>> -> memref<1x32xf32, #tpu.memory_space<vmem>>
      %dma_start3A_201 = arith.constant 0 : i32
      %dma_start3A_202 = tpu.memref_slice %arg3[%squeeze3A_194, %dma_start3A_201] : memref<1000000x32xf32, #tpu.memory_space<hbm>> -> memref<1x32xf32, #tpu.memory_space<hbm>>
      %dma_start3A_203 = arith.constant 0 : i32
      %dma_start3A_204 = tpu.memref_slice %arg11[%add3A_198, %dma_start3A_203] : memref<512x32xf32, #tpu.memory_space<vmem>> -> memref<1x32xf32, #tpu.memory_space<vmem>>
      %dma_start3A_205 = arith.constant 0 : i32
      %dma_start3A_206 = tpu.memref_slice %arg3[%squeeze3A_194, %dma_start3A_205] : memref<1000000x32xf32, #tpu.memory_space<hbm>> -> memref<1x32xf32, #tpu.memory_space<hbm>>
      tpu.enqueue_dma source(%dma_start3A_206 : memref<1x32xf32, #tpu.memory_space<hbm>>) target(%dma_start3A_204 : memref<1x32xf32, #tpu.memory_space<vmem>>) target_semaphore(%arg12 : memref<!tpu.dma_semaphore, #tpu.memory_space<semaphore_mem>>)
      %slice3A_207 = vector.extract_strided_slice %get3A_41 {offsets = [12], sizes = [1], strides = [1]} : vector<16xi32> to vector<1xi32>
      %squeeze3A_208 = vector.extract %slice3A_207[0] : i32 from vector<1xi32>
      %mul3A_209 = arith.constant 16 : i32
      %mul3A_210 = arith.muli %scan3A_37, %mul3A_209 : i32
      %add3A_211 = arith.constant 12 : i32
      %add3A_212 = arith.addi %mul3A_210, %add3A_211 : i32
      %dma_start3A_213 = arith.constant 0 : i32
      %dma_start3A_214 = tpu.memref_slice %arg11[%add3A_212, %dma_start3A_213] : memref<512x32xf32, #tpu.memory_space<vmem>> -> memref<1x32xf32, #tpu.memory_space<vmem>>
      %dma_start3A_215 = arith.constant 0 : i32
      %dma_start3A_216 = tpu.memref_slice %arg3[%squeeze3A_208, %dma_start3A_215] : memref<1000000x32xf32, #tpu.memory_space<hbm>> -> memref<1x32xf32, #tpu.memory_space<hbm>>
      %dma_start3A_217 = arith.constant 0 : i32
      %dma_start3A_218 = tpu.memref_slice %arg11[%add3A_212, %dma_start3A_217] : memref<512x32xf32, #tpu.memory_space<vmem>> -> memref<1x32xf32, #tpu.memory_space<vmem>>
      %dma_start3A_219 = arith.constant 0 : i32
      %dma_start3A_220 = tpu.memref_slice %arg3[%squeeze3A_208, %dma_start3A_219] : memref<1000000x32xf32, #tpu.memory_space<hbm>> -> memref<1x32xf32, #tpu.memory_space<hbm>>
      tpu.enqueue_dma source(%dma_start3A_220 : memref<1x32xf32, #tpu.memory_space<hbm>>) target(%dma_start3A_218 : memref<1x32xf32, #tpu.memory_space<vmem>>) target_semaphore(%arg12 : memref<!tpu.dma_semaphore, #tpu.memory_space<semaphore_mem>>)
      %slice3A_221 = vector.extract_strided_slice %get3A_41 {offsets = [13], sizes = [1], strides = [1]} : vector<16xi32> to vector<1xi32>
      %squeeze3A_222 = vector.extract %slice3A_221[0] : i32 from vector<1xi32>
      %mul3A_223 = arith.constant 16 : i32
      %mul3A_224 = arith.muli %scan3A_37, %mul3A_223 : i32
      %add3A_225 = arith.constant 13 : i32
      %add3A_226 = arith.addi %mul3A_224, %add3A_225 : i32
      %dma_start3A_227 = arith.constant 0 : i32
      %dma_start3A_228 = tpu.memref_slice %arg11[%add3A_226, %dma_start3A_227] : memref<512x32xf32, #tpu.memory_space<vmem>> -> memref<1x32xf32, #tpu.memory_space<vmem>>
      %dma_start3A_229 = arith.constant 0 : i32
      %dma_start3A_230 = tpu.memref_slice %arg3[%squeeze3A_222, %dma_start3A_229] : memref<1000000x32xf32, #tpu.memory_space<hbm>> -> memref<1x32xf32, #tpu.memory_space<hbm>>
      %dma_start3A_231 = arith.constant 0 : i32
      %dma_start3A_232 = tpu.memref_slice %arg11[%add3A_226, %dma_start3A_231] : memref<512x32xf32, #tpu.memory_space<vmem>> -> memref<1x32xf32, #tpu.memory_space<vmem>>
      %dma_start3A_233 = arith.constant 0 : i32
      %dma_start3A_234 = tpu.memref_slice %arg3[%squeeze3A_222, %dma_start3A_233] : memref<1000000x32xf32, #tpu.memory_space<hbm>> -> memref<1x32xf32, #tpu.memory_space<hbm>>
      tpu.enqueue_dma source(%dma_start3A_234 : memref<1x32xf32, #tpu.memory_space<hbm>>) target(%dma_start3A_232 : memref<1x32xf32, #tpu.memory_space<vmem>>) target_semaphore(%arg12 : memref<!tpu.dma_semaphore, #tpu.memory_space<semaphore_mem>>)
      %slice3A_235 = vector.extract_strided_slice %get3A_41 {offsets = [14], sizes = [1], strides = [1]} : vector<16xi32> to vector<1xi32>
      %squeeze3A_236 = vector.extract %slice3A_235[0] : i32 from vector<1xi32>
      %mul3A_237 = arith.constant 16 : i32
      %mul3A_238 = arith.muli %scan3A_37, %mul3A_237 : i32
      %add3A_239 = arith.constant 14 : i32
      %add3A_240 = arith.addi %mul3A_238, %add3A_239 : i32
      %dma_start3A_241 = arith.constant 0 : i32
      %dma_start3A_242 = tpu.memref_slice %arg11[%add3A_240, %dma_start3A_241] : memref<512x32xf32, #tpu.memory_space<vmem>> -> memref<1x32xf32, #tpu.memory_space<vmem>>
      %dma_start3A_243 = arith.constant 0 : i32
      %dma_start3A_244 = tpu.memref_slice %arg3[%squeeze3A_236, %dma_start3A_243] : memref<1000000x32xf32, #tpu.memory_space<hbm>> -> memref<1x32xf32, #tpu.memory_space<hbm>>
      %dma_start3A_245 = arith.constant 0 : i32
      %dma_start3A_246 = tpu.memref_slice %arg11[%add3A_240, %dma_start3A_245] : memref<512x32xf32, #tpu.memory_space<vmem>> -> memref<1x32xf32, #tpu.memory_space<vmem>>
      %dma_start3A_247 = arith.constant 0 : i32
      %dma_start3A_248 = tpu.memref_slice %arg3[%squeeze3A_236, %dma_start3A_247] : memref<1000000x32xf32, #tpu.memory_space<hbm>> -> memref<1x32xf32, #tpu.memory_space<hbm>>
      tpu.enqueue_dma source(%dma_start3A_248 : memref<1x32xf32, #tpu.memory_space<hbm>>) target(%dma_start3A_246 : memref<1x32xf32, #tpu.memory_space<vmem>>) target_semaphore(%arg12 : memref<!tpu.dma_semaphore, #tpu.memory_space<semaphore_mem>>)
      %slice3A_249 = vector.extract_strided_slice %get3A_41 {offsets = [15], sizes = [1], strides = [1]} : vector<16xi32> to vector<1xi32>
      %squeeze3A_250 = vector.extract %slice3A_249[0] : i32 from vector<1xi32>
      %mul3A_251 = arith.constant 16 : i32
      %mul3A_252 = arith.muli %scan3A_37, %mul3A_251 : i32
      %add3A_253 = arith.constant 15 : i32
      %add3A_254 = arith.addi %mul3A_252, %add3A_253 : i32
      %dma_start3A_255 = arith.constant 0 : i32
      %dma_start3A_256 = tpu.memref_slice %arg11[%add3A_254, %dma_start3A_255] : memref<512x32xf32, #tpu.memory_space<vmem>> -> memref<1x32xf32, #tpu.memory_space<vmem>>
      %dma_start3A_257 = arith.constant 0 : i32
      %dma_start3A_258 = tpu.memref_slice %arg3[%squeeze3A_250, %dma_start3A_257] : memref<1000000x32xf32, #tpu.memory_space<hbm>> -> memref<1x32xf32, #tpu.memory_space<hbm>>
      %dma_start3A_259 = arith.constant 0 : i32
      %dma_start3A_260 = tpu.memref_slice %arg11[%add3A_254, %dma_start3A_259] : memref<512x32xf32, #tpu.memory_space<vmem>> -> memref<1x32xf32, #tpu.memory_space<vmem>>
      %dma_start3A_261 = arith.constant 0 : i32
      %dma_start3A_262 = tpu.memref_slice %arg3[%squeeze3A_250, %dma_start3A_261] : memref<1000000x32xf32, #tpu.memory_space<hbm>> -> memref<1x32xf32, #tpu.memory_space<hbm>>
      tpu.enqueue_dma source(%dma_start3A_262 : memref<1x32xf32, #tpu.memory_space<hbm>>) target(%dma_start3A_260 : memref<1x32xf32, #tpu.memory_space<vmem>>) target_semaphore(%arg12 : memref<!tpu.dma_semaphore, #tpu.memory_space<semaphore_mem>>)
    }
    %scan3A_30 = arith.constant 32 : i32
    %dma_wait3A_31 = arith.constant 0 : i32
    %dma_wait3A_32 = arith.constant 0 : i32
    %dma_wait3A_33 = tpu.memref_slice %arg3[%dma_wait3A_31, %dma_wait3A_32] : memref<1000000x32xf32, #tpu.memory_space<hbm>> -> memref<512x32xf32, #tpu.memory_space<hbm>>
    %dma_wait3A_34 = arith.constant 0 : i32
    %dma_wait3A_35 = arith.constant 0 : i32
    %dma_wait3A_36 = tpu.memref_slice %arg3[%dma_wait3A_34, %dma_wait3A_35] : memref<1000000x32xf32, #tpu.memory_space<hbm>> -> memref<512x32xf32, #tpu.memory_space<hbm>>
    tpu.wait_dma2 semaphore(%arg12 : memref<!tpu.dma_semaphore, #tpu.memory_space<semaphore_mem>>) src(%dma_wait3A_36 : memref<512x32xf32, #tpu.memory_space<hbm>>) dst(%arg11 : memref<512x32xf32, #tpu.memory_space<vmem>>)
    "tpu.region"() ({
      %run_scoped3A = tpu.sem_alloc : memref<!tpu.dma_semaphore, #tpu.memory_space<semaphore_mem>>
      %dma_start3A = arith.constant 0 : i32
      %dma_start3A_37 = tpu.memref_slice %arg9[%mul3A_2, %dma_start3A] : memref<16384x32xf32, #tpu.memory_space<hbm>> -> memref<512x32xf32, #tpu.memory_space<hbm>>
      %dma_start3A_38 = arith.constant 0 : i32
      %dma_start3A_39 = tpu.memref_slice %arg9[%mul3A_2, %dma_start3A_38] : memref<16384x32xf32, #tpu.memory_space<hbm>> -> memref<512x32xf32, #tpu.memory_space<hbm>>
      tpu.enqueue_dma source(%arg11 : memref<512x32xf32, #tpu.memory_space<vmem>>) target(%dma_start3A_39 : memref<512x32xf32, #tpu.memory_space<hbm>>) target_semaphore(%run_scoped3A : memref<!tpu.dma_semaphore, #tpu.memory_space<semaphore_mem>>)
      %dma_wait3A_40 = arith.constant 0 : i32
      %dma_wait3A_41 = tpu.memref_slice %arg9[%mul3A_2, %dma_wait3A_40] : memref<16384x32xf32, #tpu.memory_space<hbm>> -> memref<512x32xf32, #tpu.memory_space<hbm>>
      %dma_wait3A_42 = arith.constant 0 : i32
      %dma_wait3A_43 = tpu.memref_slice %arg9[%mul3A_2, %dma_wait3A_42] : memref<16384x32xf32, #tpu.memory_space<hbm>> -> memref<512x32xf32, #tpu.memory_space<hbm>>
      tpu.wait_dma2 semaphore(%run_scoped3A : memref<!tpu.dma_semaphore, #tpu.memory_space<semaphore_mem>>) src(%arg11 : memref<512x32xf32, #tpu.memory_space<vmem>>) dst(%dma_wait3A_43 : memref<512x32xf32, #tpu.memory_space<hbm>>)
      tpu.yield
    }) : () -> ()
    return
  }
}

module attributes {stable_mosaic.version = 14 : i64} {
  func.func @body(%arg0: memref<16384x32xf32, #tpu.memory_space<vmem>>, %arg1: memref<16384x32xf32, #tpu.memory_space<vmem>>, %arg2: memref<16384x32xf32, #tpu.memory_space<vmem>>, %arg3: memref<8x128xf32, #tpu.memory_space<vmem>>, %arg4: memref<8x128xf32, #tpu.memory_space<vmem>>) attributes {dimension_semantics = [], scalar_prefetch = 0 : i64, scratch_operands = 0 : i64, tpu.core_type = #tpu.core_type<tc>} {
    %get3A = arith.constant 0 : index
    %get3A_0 = arith.constant 0 : index
    %get3A_1 = vector.load %arg0[%get3A, %get3A_0] : memref<16384x32xf32, #tpu.memory_space<vmem>>, vector<16384x32xf32>
    %get3A_2 = arith.constant 0 : index
    %get3A_3 = arith.constant 0 : index
    %get3A_4 = vector.load %arg1[%get3A_2, %get3A_3] : memref<16384x32xf32, #tpu.memory_space<vmem>>, vector<16384x32xf32>
    %get3A_5 = arith.constant 0 : index
    %get3A_6 = arith.constant 0 : index
    %get3A_7 = vector.load %arg2[%get3A_5, %get3A_6] : memref<16384x32xf32, #tpu.memory_space<vmem>>, vector<16384x32xf32>
    %sub3A = arith.subf %get3A_7, %get3A_4 : vector<16384x32xf32>
    %mul3A = arith.mulf %get3A_1, %sub3A : vector<16384x32xf32>
    %reduce_sum3A = arith.constant dense<0.000000e+00> : vector<16384xf32>
    %reduce_sum3A_8 = vector.multi_reduction <add>, %mul3A, %reduce_sum3A [1] : vector<16384x32xf32> to vector<16384xf32>
    %max3A = arith.constant 0.000000e+00 : f32
    %max3A_9 = vector.broadcast %max3A : f32 to vector<16384xf32>
    %max3A_10 = arith.maximumf %reduce_sum3A_8, %max3A_9 : vector<16384xf32>
    %abs3A = math.absf %reduce_sum3A_8 : vector<16384xf32>
    %neg3A = arith.constant 0.000000e+00 : f32
    %neg3A_11 = vector.broadcast %neg3A : f32 to vector<16384xf32>
    %neg3A_12 = arith.subf %neg3A_11, %abs3A : vector<16384xf32>
    %exp3A = math.exp %neg3A_12 : vector<16384xf32>
    %add3A = arith.constant 1.000000e+00 : f32
    %add3A_13 = vector.broadcast %add3A : f32 to vector<16384xf32>
    %add3A_14 = arith.addf %add3A_13, %exp3A : vector<16384xf32>
    %log3A = math.log %add3A_14 : vector<16384xf32>
    %add3A_15 = arith.addf %max3A_10, %log3A : vector<16384xf32>
    %reduce_sum3A_16 = vector.shape_cast %add3A_15 : vector<16384xf32> to vector<1x16384xf32>
    %reduce_sum3A_17 = arith.constant dense<0.000000e+00> : vector<1xf32>
    %reduce_sum3A_18 = vector.multi_reduction <add>, %reduce_sum3A_16, %reduce_sum3A_17 [1] : vector<1x16384xf32> to vector<1xf32>
    %reduce_sum3A_19 = vector.shape_cast %reduce_sum3A_18 : vector<1xf32> to vector<1x1xf32>
    %reduce_sum3A_20 = vector.extract %reduce_sum3A_19[0, 0] : f32 from vector<1x1xf32>
    %mul3A_21 = arith.mulf %get3A_1, %get3A_1 : vector<16384x32xf32>
    %mul3A_22 = arith.mulf %get3A_4, %get3A_4 : vector<16384x32xf32>
    %add3A_23 = arith.addf %mul3A_21, %mul3A_22 : vector<16384x32xf32>
    %mul3A_24 = arith.mulf %get3A_7, %get3A_7 : vector<16384x32xf32>
    %add3A_25 = arith.addf %add3A_23, %mul3A_24 : vector<16384x32xf32>
    %reduce_sum3A_26 = vector.shape_cast %add3A_25 : vector<16384x32xf32> to vector<1x16384x32xf32>
    %reduce_sum3A_27 = arith.constant dense<0.000000e+00> : vector<1xf32>
    %reduce_sum3A_28 = vector.multi_reduction <add>, %reduce_sum3A_26, %reduce_sum3A_27 [1, 2] : vector<1x16384x32xf32> to vector<1xf32>
    %reduce_sum3A_29 = vector.shape_cast %reduce_sum3A_28 : vector<1xf32> to vector<1x1x1xf32>
    %reduce_sum3A_30 = vector.extract %reduce_sum3A_29[0, 0, 0] : f32 from vector<1x1x1xf32>
    %mul3A_31 = arith.constant 6.10351563E-5 : f32
    %mul3A_32 = arith.mulf %reduce_sum3A_30, %mul3A_31 : f32
    %broadcast_in_dim3A = vector.broadcast %reduce_sum3A_20 : f32 to vector<8x128xf32>
    %swap3A = arith.constant 0 : index
    %swap3A_33 = arith.constant 0 : index
    %swap3A_34 = vector.load %arg3[%swap3A, %swap3A_33] : memref<8x128xf32, #tpu.memory_space<vmem>>, vector<8x128xf32>
    tpu.vector_store %arg3[%swap3A, %swap3A_33], %broadcast_in_dim3A {strides = array<i32>} : memref<8x128xf32, #tpu.memory_space<vmem>>, vector<8x128xf32>,
    %broadcast_in_dim3A_35 = vector.broadcast %mul3A_32 : f32 to vector<8x128xf32>
    %swap3A_36 = arith.constant 0 : index
    %swap3A_37 = arith.constant 0 : index
    %swap3A_38 = vector.load %arg4[%swap3A_36, %swap3A_37] : memref<8x128xf32, #tpu.memory_space<vmem>>, vector<8x128xf32>
    tpu.vector_store %arg4[%swap3A_36, %swap3A_37], %broadcast_in_dim3A_35 {strides = array<i32>} : memref<8x128xf32, #tpu.memory_space<vmem>>, vector<8x128xf32>,
    return
  }
}

</mosaic_0001>

<sc_bundles>
// kernel: kernel.4.cloned.1.call-start
scs
__scs_entry_jumppad:
0x0: {  	(pc) =	sbr.rel $0x88, $3  }
0x1: {  	(tag) =	ssettag $0x0;
	lr =	simm.s32 $0x1  }
0x2: {  	[smem:$0x3F9C] =	sst lr;
	_ =	strace $0xD0000000  }
0x3: {  	_ = 	snop  }
0x4: {  	_ = 	snop  }
0x5: {  	_ = 	snop  }
0x6: {  	_ = 	snop  }
0x7: {  	_ = 	snop  }
__scs_overlays_trampoline_lowered:
0x8: {  	[smem:$0x3FAB] =	sst s0  }
0x9: {  	[smem:$0x3FAC] =	sst s1  }
0xa: {  	[smem:$0x3FAD] =	sst s2  }
0xb: {  	[smem:$0x3FAE] =	sst s3  }
0xc: {  	[smem:$0x3FAF] =	sst s4  }
0xd: {  	[smem:$0x3FB0] =	sst s5  }
0xe: {  	[smem:$0x3FB1] =	sst s6  }
0xf: {  	[smem:$0x3FB2] =	sst s7  }
0x10: {  	[smem:$0x3FB3] =	sst s8  }
0x11: {  	[smem:$0x3FB4] =	sst s9;
	s0 =	simm.s32 @!p0 $0x0  }
0x12: {  	s1 =	sld [smem:$0x3F9A];
	s0 =	simm.s32 @p0 $0x1  }
0x13: {  	[smem:$0x3FB5] =	sst s0;
	s0 =	simm.s32 @!p1 $0x0  }
0x14: {  	s2 =	sld [smem:$0x3F99];
	s0 =	simm.s32 @p1 $0x1  }
0x15: {  	[smem:$0x3FB6] =	sst s0;
	s0 =	simm.s32 @!p2 $0x0  }
0x16: {  	s3 =	sld [smem:$0x3FDB];
	s0 =	simm.s32 @p2 $0x1  }
0x17: {  	s4 =	simm.s32 $0x1BF5;
	[smem:$0x3FB8] =	sst s0  }
0x18: {  	s0 =	sld [smem:$0x3F9B];
	_ =	swait.ge [sflag:s4], $0x0  }
0x19: {  	s7 =	sld [smem:$0x3F9C]  }
0x1a: {  	s8 =	sadd.s32 $0xFFFFE003, lr  }
0x1b: {  	s9 =	sadd.s32 $0xFFFFFEF7, lr;
	s5 =	simm.s32 $0xFFFFFFFF;
	p2 =	slt.u32 s8, $0xFFFFF086  }
0x1c: {  	p1 =	slt.u32 s9, $0xF7A;
	s5 =	simm.s32 @!p2 $0x0  }
0x1d: {  	s5 =	simm.s32 @p1 $0x1;
	p0 =	seq.s32 s7, s2  }
0x1e: {  	s7 =	smul.u32 @!p0 $0xF7A, s2;
	p2 =	seq.s32 @!p0 s5, $0x0  }
0x1f: {  	s9 =	smul.u32 $0xF7A, s1;
	s8 =	simm.s32 @!p0 $0x1BF5;
	p2 =	por !p2, p0  }
0x20: {  	[sflag:s8] =	ssyncset.s32 @!p0 $0xFFFFF086;
	s6 =	sadd.s32 @!p0 s3, s7;
	s7 =	simm.s32 @!p0 $0x108  }
0x21: {  	s3 =	sadd.s32 s3, s9;
	s6 =	sadd.s32 @!p0 $0x88, s6;
	s7 =	simm.s32 @p2 $0x1082  }
0x22: {  	[simem:s7], [sflag:s8] =	dma.local @!p0 [hbm:s6], $0xF7A  }
0x23: {  	s9 =	sor.u32 $0xD0000000, s2;
	s6 =	simm.s32 $0x108;
	_ =	swait.ge @!p0 [sflag:s8], $0x0  }
0x24: {  	s3 =	sadd.s32 $0x88, s3;
	s6 =	simm.s32 @!p1 $0x1082;
	[sflag:s4] =	ssyncset.s32 $0xFFFFF086  }
0x25: {  	[simem:s6], [sflag:s4] =	dma.local [hbm:s3], $0xF7A  }
0x26: {  	[smem:$0x3F9C] =	sst s1;
	(tag) =	ssettag s2;
	_ =	strace s9  }
0x27: {  	s1 =	sld [smem:$0x3FAC]  }
0x28: {  	s2 =	sld [smem:$0x3FAD]  }
0x29: {  	s4 =	sld [smem:$0x3FAF]  }
0x2a: {  	p0 =	seq.s32 s5, $0x0;
	s5 =	sld [smem:$0x3FB0]  }
0x2b: {  	s6 =	sld [smem:$0x3FB1]  }
0x2c: {  	s7 =	sld [smem:$0x3FB2]  }
0x2d: {  	s3 =	simm.s32 $0x108;
	s8 =	sld [smem:$0x3FB3]  }
0x2e: {  	s3 =	simm.s32 @!p0 $0x1082;
	s9 =	sld [smem:$0x3FB4]  }
0x2f: {  	lr =	sadd.s32 s0, s3;
	s0 =	sld [smem:$0x3FAB]  }
0x30: {  	s3 =	sld [smem:$0x3FAE]  }
0x31: {  	[smem:$0x3FB7] =	sst s10  }
0x32: {  	s10 =	sld [smem:$0x3FB5];
	_ =	sdelay $0x3  }
0x33: {  	p0 =	seq.s32 s10, $0x1;
	s10 =	sld [smem:$0x3FB7];
	_ =	sdelay $0x3  }
0x34: {  	[smem:$0x3FB7] =	sst s10  }
0x35: {  	s10 =	sld [smem:$0x3FB6];
	_ =	sdelay $0x3  }
0x36: {  	p1 =	seq.s32 s10, $0x1;
	s10 =	sld [smem:$0x3FB7];
	_ =	sdelay $0x3  }
0x37: {  	[smem:$0x3FB7] =	sst s10  }
0x38: {  	s10 =	sld [smem:$0x3FB8]  }
0x39: {  	_ = 	snop;
	(pc) =	sbr.ind lr, $3  }
0x3a: {  	_ = 	snop  }
0x3b: {  	_ = 	snop  }
0x3c: {  	p2 =	seq.s32 s10, $0x1;
	s10 =	sld [smem:$0x3FB7]  }
0x3d: {  	_ =	shalt  }
0x3e: {  	_ =	shalt  }
0x3f: {  	_ =	shalt  }
0x40: {  	_ =	shalt  }
0x41: {  	_ =	shalt  }
0x42: {  	_ =	shalt  }
0x43: {  	_ =	shalt  }
0x44: {  	_ =	shalt  }
0x45: {  	_ =	shalt  }
0x46: {  	_ =	shalt  }
0x47: {  	_ =	shalt  }
0x48: {  	_ =	shalt  }
0x49: {  	_ =	shalt  }
0x4a: {  	_ =	shalt  }
0x4b: {  	_ =	shalt  }
0x4c: {  	_ =	shalt  }
0x4d: {  	_ =	shalt  }
0x4e: {  	_ =	shalt  }
0x4f: {  	_ =	shalt  }
0x50: {  	_ =	shalt  }
0x51: {  	_ =	shalt  }
0x52: {  	_ =	shalt  }
0x53: {  	_ =	shalt  }
0x54: {  	_ =	shalt  }
0x55: {  	_ =	shalt  }
0x56: {  	_ =	shalt  }
0x57: {  	_ =	shalt  }
0x58: {  	_ =	shalt  }
0x59: {  	_ =	shalt  }
0x5a: {  	_ =	shalt  }
0x5b: {  	_ =	shalt  }
0x5c: {  	_ =	shalt  }
0x5d: {  	_ =	shalt  }
0x5e: {  	_ =	shalt  }
0x5f: {  	_ =	shalt  }
0x60: {  	_ =	shalt  }
0x61: {  	_ =	shalt  }
0x62: {  	_ =	shalt  }
0x63: {  	_ =	shalt  }
0x64: {  	_ =	shalt  }
0x65: {  	_ =	shalt  }
0x66: {  	_ =	shalt  }
0x67: {  	_ =	shalt  }
0x68: {  	_ =	shalt  }
0x69: {  	_ =	shalt  }
0x6a: {  	_ =	shalt  }
0x6b: {  	_ =	shalt  }
0x6c: {  	_ =	shalt  }
0x6d: {  	_ =	shalt  }
0x6e: {  	_ =	shalt  }
0x6f: {  	_ =	shalt  }
0x70: {  	_ =	shalt  }
0x71: {  	_ =	shalt  }
0x72: {  	_ =	shalt  }
0x73: {  	_ =	shalt  }
0x74: {  	_ =	shalt  }
0x75: {  	_ =	shalt  }
0x76: {  	_ =	shalt  }
0x77: {  	_ =	shalt  }
0x78: {  	_ =	shalt  }
0x79: {  	_ =	shalt  }
0x7a: {  	_ =	shalt  }
0x7b: {  	_ =	shalt  }
0x7c: {  	_ =	shalt  }
0x7d: {  	_ =	shalt  }
0x7e: {  	_ =	shalt  }
0x7f: {  	_ =	shalt  }
0x80: {  	_ =	shalt  }
0x81: {  	_ =	shalt  }
0x82: {  	_ =	shalt  }
0x83: {  	_ =	shalt  }
0x84: {  	_ =	shalt  }
0x85: {  	_ =	shalt  }
0x86: {  	_ =	shalt  }
0x87: {  	_ =	shalt  }
.Lfunc_end0:
.L_simem_size_0:
called_computation_lowered:
.L_overlay_start_0:
0x88: {  	s2 =	sld [smem:$0x3FD9]  }
0x89: {  	s3 =	sld [smem:$0x3FFE];
	_ =	sdelay $0x1  }
0x8a: {  	s1 =	srdreg.scid  }
0x8b: {  	s0 =	sand.u32 $0x1, s1  }
0x8c: {  	s17 =	sshll.u32 s0, $0xA;
	s2 =	sadd.s32 s3, s2  }
0x8d: {  	s2 =	sadd.s32 s2, s17  }
0x8e: {  	[smem:$0x3FC3] =	sst s2  }
0x8f: {  	_ = 	snop  }
0x90: {  	s2 =	sld [smem:$0x3FC7]  }
0x91: {  	s18 =	sld [smem:$0x3FC6]  }
0x92: {  	s4 =	sld [smem:$0x3FC5];
	(tm) =	ssettm $0x1  }
0x93: {  	s5 =	sld [smem:$0x3FFB];
	_ =	sdelay $0x3  }
0x94: {  	_ =	strace s5  }
0x95: {  	s5 =	sld [smem:$0x3FFC];
	_ =	sdelay $0x3  }
0x96: {  	_ =	strace s5  }
0x97: {  	s5 =	sld [smem:$0x3FFD];
	_ =	sdelay $0x3  }
0x98: {  	_ =	strace s5  }
0x99: {  	_ =	strace $0x8FFFFFFF  }
0x9a: {  	s19 =	sld [smem:$0x3FDB];
	_ =	sdelay $0x1  }
0x9b: {  	s6 =	simm.s32 $_scs_section_size  }
0x9c: {  	s7 =	simm.s32 $_size__tile_overlayer_lowered;
	s8 =	simm.s32 $_tile_overlayer_lowered  }
0x9d: {  	s22 =	simm.s32 $0x1BFF;
	s21 =	sshll.u32 s8, $0x1;
	s5 =	sadd.s32 s6, s19  }
0x9e: {  	s9 =	simm.s32 $0x0;
	s20 =	sshll.u32 s7, $0x1;
	s7 =	sadd.s32 s21, s5  }
0x9f: {  	[timem:s9], [sflag:s22] =	dma.local [hbm:s7], s20  }
0xa0: {  	_ =	swait.ge [sflag:s22], s20  }
0xa1: {  	s6 =	ssub.s32 $0x0, s20;
	[sflag:s22] =	ssyncset.done $0x0  }
0xa2: {  	[sflag:s22] =	ssyncadd.s32 s6;
	_ =	sdelay $0x1  }
0xa3: {  	s23 =	simm.s32 $0x1B8B  }
0xa4: {  	_ =	swait.ge [sflag:s23], $0x1  }
0xa5: {  	[sflag:s23] =	ssyncset.done $0x0  }
0xa6: {  	s25 =	simm.s32 $0x1B8E;
	s24 =	sld [smem:$0x3FFE];
	[sflag:s23] =	ssyncadd.s32 $0xFFFFFFFF  }
0xa7: {  	s26 =	simm.s32 $execute0_lowered;
	[smem:$0x3FD2] =	sst s25  }
0xa8: {  	s7 =	sshll.u32 s26, $0x1;
	_ =	strace $0x80000046;
	[dreg:$0x1] =	wrdreg $0xFFFFFFFF  }
0xa9: {  	s28 =	simm.s32 $_size_execute0_lowered;
	s5 =	sadd.s32 s5, s7;
	[dreg:$0x0] =	wrdreg $0x0  }
0xaa: {  	s7 =	sshll.u32 s28, $0x1;
	[dreg:$0x2] =	wrdreg s5  }
0xab: {  	[dreg:$0x3] =	wrdreg s7  }
0xac: {  	[dreg:$0x4] =	wrdreg $0xC0  }
0xad: {  	_ =	task [dreg:s9], $0x5FFFF  }
0xae: {  	[dreg:$0x1] =	wrdreg $0xFFFFFFFF  }
0xaf: {  	[dreg:$0x0] =	wrdreg $0x60  }
0xb0: {  	[dreg:$0x2] =	wrdreg s24  }
0xb1: {  	[dreg:$0x3] =	wrdreg s2  }
0xb2: {  	[dreg:$0x4] =	wrdreg s18  }
0xb3: {  	[dreg:$0x5] =	wrdreg s4  }
0xb4: {  	[dreg:$0x6] =	wrdreg $0x9  }
0xb5: {  	_ =	task.clear_ibuf [dreg:s9], $0x7FFFF;
	_ =	strace $0x90000046  }
0xb6: {  	s29 =	simm.s32 $0x9;
	_ =	strace $0x80000048  }
0xb7: {  	_ =	swait.ge [sflag:s29], $0x1  }
0xb8: {  	[sflag:s29] =	ssyncadd.s32 $0xFFFFFFFF  }
0xb9: {  	_ =	strace $0x90000048  }
0xba: {  	_ =	sfence  }
0xbb: {  	s30 =	sld [smem:$0x0];
	_ =	sdelay $0x2  }
0xbc: {  	s31 =	sshll.u32 s1, $0xD;
	s1 =	sshrl.u32 s1, $0x2  }
0xbd: {  	s3 =	sand.u32 $0x4000, s31;
	s1 =	sadd.s32 s1, s30  }
0xbe: {  	s0 =	sor.u32 s3, s0;
	s1 =	sshll.u32 s1, $0x11  }
0xbf: {  	s0 =	sor.u32 s1, s0  }
0xc0: {  	s0 =	sadd.s32 $0x8F2B, s0  }
0xc1: {  	[sflag:s0] =	ssyncadd.remote.s32 $0x1  }
0xc2: {  	_ =	sfence.sel $0xFFFF  }
0xc3: {  	[dreg:$0x0] =	wrdreg $0xFFFFFFFF;
	(pc) =	sbr.abs _section_cstart, $3  }
0xc4: {  	[dreg:$0x1] =	wrdreg $0xFFFFFFFF  }
0xc5: {  	_ =	task.clear_ibuf [dreg:s9], $0x2FFFF;
	_ =	strace $0x9FFFFFFF  }
0xc6: {  	(tm) =	ssettm $0x7FFFFFFF  }
0xc7: {  	_ =	shalt  }
tec
execute0_lowered:
.L_overlay_start_1:
0x0: {  	(tag) =	ssettag $0x1  }
0x1: {  	s5 =	rddreg [dreg:$0x0]  }
0x2: {  	s6 =	rddreg [dreg:$0x1]  }
0x3: {  	s7 =	rddreg [dreg:$0x2]  }
0x4: {  	s9 =	rddreg [dreg:$0x3];
	s3 =	srdreg.scid  }
0x5: {  	s2 =	simm.s32 $0x0;
	s0 =	stileid.u32;
	s13 =	simm.s32 $0x1  }
0x6: {  	s14 =	simm.s32 $0x200;
	s15 =	simm.s32 $0x0;
	s8 =	sand.u32 $0x1, s3  }
0x7: {  	[smem:$0x7FF] =	sst s2;
	s4 =	sshll.u32 s0, $0xA;
	s3 =	sadd.s32 $0xE00, s5  }
0x8: {  	s10 =	sshll.u32 s8, $0x9;
	_ =	strace $0x80000047;
	s8 =	ssub.s32 $0x2, s8  }
0x9: {  	s10 =	sor.u32 s10, s4;
	s4 =	sadd.s32 $0xF43200, s5;
	s28 =	sshrl.u32 s8, $0x1  }
0xa: {  	s11 =	sshll.u32 s10, $0x4;
	s10 =	sshrl.u32 s10, $0x3;
	s12 =	ssub.s32 s8, s28  }
0xb: {  	s11 =	sadd.s32 s11, s5;
	s29 =	sadd.s32 s6, s10;
	s31 =	sadd.s32 s7, s10  }
0xc: {  	s9 =	sadd.s32 s9, s10;
	[dreg:$0x5] =	wrdreg s29;
	s30 =	sadd.s32 $0x1E85600, s11  }
0xd: {  	[dreg:$0x7] =	wrdreg s31;
	s8 =	sadd.s32 $0x1EC5600, s11;
	s10 =	sadd.s32 $0x1F05600, s11  }
0xe: {  	s11 =	smax.u32 s12, $0x1;
	s12 =	simm.s32 $0x2;
	[dreg:$0x6] =	wrdreg s30  }
.LBB2_1:
0xf: {  	s0 =	rddreg [dreg:$0x5]  }
0x10: {  	[tilespmem:s2], [sflag:$0x2] =	stream.linear.gather [hbm4b:s0+s2], $0x200, $0x38;
	[tilespmem:$0x10200] =	vst v63  }
0x11: {  	_ =	swait.ge [sflag:s12], $0x200  }
0x12: {  	[sflag:s12] =	ssyncset.done $0x0  }
0x13: {  	[sflag:s12] =	ssyncadd.s32 $0xFFFFFE00  }
0x14: {  	v0 =	vld [tilespmem:s2+$0x0];
	_ =	sdelay $0x4  }
0x15: {  	v0 =	vshll.u32 v0, $0x4  }
0x16: {  	(v2sf) =	vpush v0, $0x0  }
0x17: {  	(v2sf) =	vpush v0, $0x1  }
0x18: {  	(v2sf) =	vpush v0, $0x2;
	_ =	sdelay $0x1  }
0x19: {  	(v2sf) =	vpush v0, $0x4;
	_ =	sdelay $0x1  }
0x1a: {  	(v2sf) =	vpush v0, $0x3  }
0x1b: {  	(v2sf) =	vpush v0, $0x5  }
0x1c: {  	s17 =	simm.s32 $0x2000;
	s16 =	simm.s32 $0x0;
	s18 =	simm.s32 $0x0;
	(v2sf) =	vpush v0, $0x6  }
.LBB2_2:
0x1d: {  	p0 =	sne.s32 s17, $0x3E000  }
0x1e: {  	s29 =	sadd.s32 $0x280, s16;
	s22 =	sadd.s32 $0x780, s16;
	s19 =	smov.u32 s17  }
0x1f: {  	s17 =	sadd.s32 $0x2000, s17;
	s25 =	sadd.s32 $0x580, s16;
	s20 =	sadd.s32 $0x800, s16;
	(v2sf) =	vpush v0, $0x7  }
0x20: {  	s28 =	sadd.s32 $0x480, s16;
	s24 =	sadd.s32 $0x600, s16;
	s21 =	sadd.s32 $0x880, s16  }
0x21: {  	s30 =	sadd.s32 $0x200, s16;
	s31 =	sadd.s32 $0x400, s16;
	(v2sf) =	vpush v0, $0x8  }
0x22: {  	s0 =	sadd.s32 $0x500, s16;
	s18 =	sadd.s32 $0x10, s18  }
0x23: {  	s1 =	sadd.s32 $0x300, s16;
	s23 =	sadd.s32 $0x700, s16;
	s26 =	spop (v2sf);
	(v2sf) =	vpush v0, $0x9  }
0x24: {  	s5 =	sand.u32 $0x1FFFFFF0, s26;
	s26 =	sadd.s32 $0x680, s16;
	s6 =	spop (v2sf)  }
0x25: {  	s5 =	sadd.s32 s3, s5;
	s6 =	sand.u32 $0x1FFFFFF0, s6;
	s7 =	spop (v2sf);
	(v2sf) =	vpush v0, $0xA  }
0x26: {  	[tilespmem:s30], [sflag:$0x1] =	stream.linear.gather [hbm4b:s5+s2], $0x80, $0x38;
	[tilespmem:$0x10200] =	vst v63  }
0x27: {  	s5 =	sadd.s32 s3, s6;
	s6 =	sadd.s32 $0x380, s16;
	s30 =	spop (v2sf);
	(v2sf) =	vpush v0, $0xB  }
0x28: {  	[tilespmem:s29], [sflag:$0x1] =	stream.linear.gather [hbm4b:s5+s2], $0x80, $0x38;
	[tilespmem:$0x10200] =	vst v63  }
0x29: {  	s5 =	sand.u32 $0x1FFFFFF0, s7;
	s7 =	sand.u32 $0x1FFFFFF0, s30;
	s29 =	spop (v2sf);
	(v2sf) =	vpush v0, $0xC  }
0x2a: {  	s5 =	sadd.s32 s3, s5;
	s29 =	sand.u32 $0x1FFFFFF0, s29;
	s30 =	spop (v2sf)  }
0x2b: {  	[tilespmem:s1], [sflag:$0x1] =	stream.linear.gather [hbm4b:s5+s2], $0x80, $0x38;
	(v2sf) =	vpush v0, $0xD;
	[tilespmem:$0x10200] =	vst v63  }
0x2c: {  	s1 =	sadd.s32 s3, s29;
	s5 =	sand.u32 $0x1FFFFFF0, s30;
	s29 =	spop (v2sf)  }
0x2d: {  	[tilespmem:s6], [sflag:$0x1] =	stream.linear.gather [hbm4b:s1+s2], $0x80, $0x38;
	(v2sf) =	vpush v0, $0xE;
	[tilespmem:$0x10200] =	vst v63  }
0x2e: {  	s1 =	sadd.s32 s3, s7;
	s6 =	sand.u32 $0x1FFFFFF0, s29;
	s7 =	spop (v2sf)  }
0x2f: {  	[tilespmem:s31], [sflag:$0x1] =	stream.linear.gather [hbm4b:s1+s2], $0x80, $0x38;
	(v2sf) =	vpush v0, $0xF;
	[tilespmem:$0x10200] =	vst v63  }
0x30: {  	s1 =	sadd.s32 s3, s5;
	s5 =	sand.u32 $0x1FFFFFF0, s7;
	s7 =	spop (v2sf)  }
0x31: {  	[tilespmem:s28], [sflag:$0x1] =	stream.linear.gather [hbm4b:s1+s2], $0x80, $0x38;
	[tilespmem:$0x10200] =	vst v63  }
0x32: {  	s1 =	sadd.s32 s3, s6;
	s6 =	sand.u32 $0x1FFFFFF0, s7;
	s7 =	spop (v2sf)  }
0x33: {  	[tilespmem:s0], [sflag:$0x1] =	stream.linear.gather [hbm4b:s1+s2], $0x80, $0x38;
	[tilespmem:$0x10200] =	vst v63  }
0x34: {  	s0 =	sadd.s32 s3, s5;
	s1 =	sand.u32 $0x1FFFFFF0, s7;
	s5 =	spop (v2sf)  }
0x35: {  	[tilespmem:s25], [sflag:$0x1] =	stream.linear.gather [hbm4b:s0+s2], $0x80, $0x38;
	[tilespmem:$0x10200] =	vst v63  }
0x36: {  	s0 =	sadd.s32 s3, s6;
	s5 =	sand.u32 $0x1FFFFFF0, s5;
	s6 =	spop (v2sf)  }
0x37: {  	[tilespmem:s24], [sflag:$0x1] =	stream.linear.gather [hbm4b:s0+s2], $0x80, $0x38;
	[tilespmem:$0x10200] =	vst v63  }
0x38: {  	s0 =	sadd.s32 s3, s1;
	s1 =	sand.u32 $0x1FFFFFF0, s6;
	s6 =	spop (v2sf)  }
0x39: {  	[tilespmem:s26], [sflag:$0x1] =	stream.linear.gather [hbm4b:s0+s2], $0x80, $0x38;
	[tilespmem:$0x10200] =	vst v63  }
0x3a: {  	s0 =	sadd.s32 s3, s5;
	s5 =	sand.u32 $0x1FFFFFF0, s6;
	s6 =	spop (v2sf)  }
0x3b: {  	[tilespmem:s23], [sflag:$0x1] =	stream.linear.gather [hbm4b:s0+s2], $0x80, $0x38;
	[tilespmem:$0x10200] =	vst v63  }
0x3c: {  	s0 =	sadd.s32 s3, s1;
	s1 =	sand.u32 $0x1FFFFFF0, s6;
	s6 =	spop (v2sf)  }
0x3d: {  	[tilespmem:s22], [sflag:$0x1] =	stream.linear.gather [hbm4b:s0+s2], $0x80, $0x38;
	[tilespmem:$0x10200] =	vst v63  }
0x3e: {  	s0 =	sadd.s32 s3, s5;
	s5 =	sand.u32 $0x1FFFFFF0, s6;
	s6 =	spop (v2sf)  }
0x3f: {  	[tilespmem:s20], [sflag:$0x1] =	stream.linear.gather [hbm4b:s0+s2], $0x80, $0x38;
	[tilespmem:$0x10200] =	vst v63  }
0x40: {  	s0 =	sadd.s32 s3, s1;
	s1 =	sand.u32 $0x1FFFFFF0, s6  }
0x41: {  	[tilespmem:s21], [sflag:$0x1] =	stream.linear.gather [hbm4b:s0+s2], $0x80, $0x38;
	[tilespmem:$0x10200] =	vst v63  }
0x42: {  	s5 =	sadd.s32 s3, s5;
	s0 =	sadd.s32 $0x900, s16  }
0x43: {  	[tilespmem:s0], [sflag:$0x1] =	stream.linear.gather [hbm4b:s5+s2], $0x80, $0x38;
	[tilespmem:$0x10200] =	vst v63  }
0x44: {  	s1 =	sadd.s32 s3, s1;
	s0 =	sadd.s32 $0x980, s16  }
0x45: {  	[tilespmem:s0], [sflag:$0x1] =	stream.linear.gather [hbm4b:s1+s2], $0x80, $0x38;
	[tilespmem:$0x10200] =	vst v63  }
0x46: {  	v0 =	vld [tilespmem:s18+$0x0];
	_ =	sdelay $0x4  }
0x47: {  	v0 =	vshll.u32 v0, $0x4  }
0x48: {  	(v2sf) =	vpush v0, $0x0  }
0x49: {  	(v2sf) =	vpush v0, $0x1  }
0x4a: {  	(v2sf) =	vpush v0, $0x2;
	_ =	sdelay $0x1  }
0x4b: {  	(v2sf) =	vpush v0, $0x4  }
.Ltmp0:
0x4c: {  	(pc) =	sbr.rel @p0 .LBB2_2-.Ltmp0, $3  }
0x4d: {  	(v2sf) =	vpush v0, $0x3  }
0x4e: {  	(v2sf) =	vpush v0, $0x5;
	_ =	sdelay $0x1  }
0x4f: {  	s16 =	sshra.s32 s19, $0x2;
	(v2sf) =	vpush v0, $0x6  }
0x50: {  	_ =	sdelay $0x1  }
0x51: {  	s0 =	sadd.s32 $0x280, s16;
	s19 =	sadd.s32 $0x780, s16  }
0x52: {  	s1 =	sadd.s32 $0x580, s16;
	s17 =	sadd.s32 $0x800, s16;
	(v2sf) =	vpush v0, $0x7;
	s5 =	sadd.s32 $0x480, s16  }
0x53: {  	s6 =	sadd.s32 $0x600, s16;
	s18 =	sadd.s32 $0x880, s16;
	s7 =	sadd.s32 $0x200, s16  }
0x54: {  	s20 =	sadd.s32 $0x400, s16;
	s21 =	sadd.s32 $0x500, s16;
	(v2sf) =	vpush v0, $0x8;
	s22 =	spop (v2sf)  }
0x55: {  	s23 =	sadd.s32 $0x300, s16;
	s22 =	sand.u32 $0x1FFFFFF0, s22;
	s24 =	spop (v2sf)  }
0x56: {  	(v2sf) =	vpush v0, $0x9;
	s22 =	sadd.s32 s3, s22;
	s24 =	sand.u32 $0x1FFFFFF0, s24;
	s25 =	spop (v2sf)  }
0x57: {  	[tilespmem:s7], [sflag:$0x1] =	stream.linear.gather [hbm4b:s22+s2], $0x80, $0x38;
	[tilespmem:$0x10200] =	vst v63  }
0x58: {  	s26 =	sadd.s32 $0x380, s16;
	(v2sf) =	vpush v0, $0xA;
	s30 =	sadd.s32 s3, s24;
	s31 =	spop (v2sf)  }
0x59: {  	[tilespmem:s0], [sflag:$0x1] =	stream.linear.gather [hbm4b:s30+s2], $0x80, $0x38;
	[tilespmem:$0x10200] =	vst v63  }
0x5a: {  	s7 =	sadd.s32 $0x700, s16;
	s28 =	sand.u32 $0x1FFFFFF0, s25;
	(v2sf) =	vpush v0, $0xB;
	s29 =	spop (v2sf)  }
0x5b: {  	s22 =	sadd.s32 s3, s28;
	s0 =	sadd.s32 $0x680, s16;
	s25 =	sand.u32 $0x1FFFFFF0, s29  }
0x5c: {  	(v2sf) =	vpush v0, $0xC;
	[tilespmem:s23], [sflag:$0x1] =	stream.linear.gather [hbm4b:s22+s2], $0x80, $0x38;
	[tilespmem:$0x10200] =	vst v63  }
0x5d: {  	s30 =	sand.u32 $0x1FFFFFF0, s31;
	s31 =	spop (v2sf);
	s28 =	sadd.s32 s3, s25  }
0x5e: {  	(v2sf) =	vpush v0, $0xD;
	[tilespmem:s26], [sflag:$0x1] =	stream.linear.gather [hbm4b:s28+s2], $0x80, $0x38;
	[tilespmem:$0x10200] =	vst v63  }
0x5f: {  	s22 =	sadd.s32 s3, s30;
	s23 =	sand.u32 $0x1FFFFFF0, s31;
	s29 =	spop (v2sf)  }
0x60: {  	(v2sf) =	vpush v0, $0xE;
	[tilespmem:s20], [sflag:$0x1] =	stream.linear.gather [hbm4b:s22+s2], $0x80, $0x38;
	[tilespmem:$0x10200] =	vst v63  }
0x61: {  	s23 =	sadd.s32 s3, s23;
	s30 =	sand.u32 $0x1FFFFFF0, s29;
	s31 =	spop (v2sf)  }
0x62: {  	(v2sf) =	vpush v0, $0xF;
	[tilespmem:s5], [sflag:$0x1] =	stream.linear.gather [hbm4b:s23+s2], $0x80, $0x38;
	[tilespmem:$0x10200] =	vst v63  }
0x63: {  	s24 =	sand.u32 $0x1FFFFFF0, s31;
	s25 =	spop (v2sf);
	s20 =	sadd.s32 s3, s30  }
0x64: {  	[tilespmem:s21], [sflag:$0x1] =	stream.linear.gather [hbm4b:s20+s2], $0x80, $0x38;
	[tilespmem:$0x10200] =	vst v63  }
0x65: {  	s26 =	sand.u32 $0x1FFFFFF0, s25;
	s5 =	sadd.s32 s3, s24;
	s28 =	spop (v2sf)  }
0x66: {  	[tilespmem:s1], [sflag:$0x1] =	stream.linear.gather [hbm4b:s5+s2], $0x80, $0x38;
	[tilespmem:$0x10200] =	vst v63  }
0x67: {  	s20 =	sadd.s32 s3, s26;
	s29 =	sand.u32 $0x1FFFFFF0, s28;
	s30 =	spop (v2sf)  }
0x68: {  	[tilespmem:s6], [sflag:$0x1] =	stream.linear.gather [hbm4b:s20+s2], $0x80, $0x38;
	[tilespmem:$0x10200] =	vst v63  }
0x69: {  	s5 =	sand.u32 $0x1FFFFFF0, s30;
	s1 =	sadd.s32 s3, s29;
	s31 =	spop (v2sf)  }
0x6a: {  	[tilespmem:s0], [sflag:$0x1] =	stream.linear.gather [hbm4b:s1+s2], $0x80, $0x38;
	[tilespmem:$0x10200] =	vst v63  }
0x6b: {  	s5 =	sadd.s32 s3, s5;
	s6 =	sand.u32 $0x1FFFFFF0, s31;
	s20 =	spop (v2sf)  }
0x6c: {  	[tilespmem:s7], [sflag:$0x1] =	stream.linear.gather [hbm4b:s5+s2], $0x80, $0x38;
	[tilespmem:$0x10200] =	vst v63  }
0x6d: {  	s0 =	sadd.s32 s3, s6;
	s1 =	sand.u32 $0x1FFFFFF0, s20;
	s21 =	spop (v2sf)  }
0x6e: {  	[tilespmem:s19], [sflag:$0x1] =	stream.linear.gather [hbm4b:s0+s2], $0x80, $0x38;
	[tilespmem:$0x10200] =	vst v63  }
0x6f: {  	s22 =	sand.u32 $0x1FFFFFF0, s21;
	s1 =	sadd.s32 s3, s1;
	s23 =	spop (v2sf)  }
0x70: {  	[tilespmem:s17], [sflag:$0x1] =	stream.linear.gather [hbm4b:s1+s2], $0x80, $0x38;
	[tilespmem:$0x10200] =	vst v63  }
0x71: {  	s24 =	sand.u32 $0x1FFFFFF0, s23;
	s25 =	spop (v2sf);
	s0 =	sadd.s32 s3, s22  }
0x72: {  	[tilespmem:s18], [sflag:$0x1] =	stream.linear.gather [hbm4b:s0+s2], $0x80, $0x38;
	[tilespmem:$0x10200] =	vst v63  }
0x73: {  	s28 =	sadd.s32 $0x900, s16;
	s26 =	sand.u32 $0x1FFFFFF0, s25;
	s1 =	sadd.s32 s3, s24  }
0x74: {  	[tilespmem:s28], [sflag:$0x1] =	stream.linear.gather [hbm4b:s1+s2], $0x80, $0x38;
	[tilespmem:$0x10200] =	vst v63  }
0x75: {  	s29 =	sadd.s32 $0x980, s16;
	s0 =	sadd.s32 s3, s26  }
0x76: {  	[tilespmem:s29], [sflag:$0x1] =	stream.linear.gather [hbm4b:s0+s2], $0x80, $0x38;
	[tilespmem:$0x10200] =	vst v63  }
0x77: {  	_ =	swait.ge [sflag:s13], $0x10000  }
0x78: {  	[sflag:s13] =	ssyncset.done $0x0  }
0x79: {  	s17 =	simm.s32 $0x0;
	s30 =	rddreg [dreg:$0x6];
	[sflag:s13] =	ssyncadd.s32 $0xFFFF0000  }
0x7a: {  	[hbm4b:s30+s17] =	stream.linear.scatter [tilespmem:s14], [sflag:$0x2], $0x10000, $0x38;
	[tilespmem:$0x10200] =	vst v63  }
0x7b: {  	_ =	swait.ge [sflag:s12], $0x10000  }
0x7c: {  	[sflag:s12] =	ssyncset.done $0x0  }
0x7d: {  	s31 =	rddreg [dreg:$0x7];
	[sflag:s12] =	ssyncadd.s32 $0xFFFF0000  }
0x7e: {  	[tilespmem:s17], [sflag:$0x2] =	stream.linear.gather [hbm4b:s31+s17], $0x200, $0x38;
	[tilespmem:$0x10200] =	vst v63  }
0x7f: {  	_ =	swait.ge [sflag:s12], $0x200  }
0x80: {  	[sflag:s12] =	ssyncset.done $0x0  }
0x81: {  	[sflag:s12] =	ssyncadd.s32 $0xFFFFFE00  }
0x82: {  	v0 =	vld [tilespmem:s17+$0x0];
	_ =	sdelay $0x4  }
0x83: {  	v0 =	vshll.u32 v0, $0x4  }
0x84: {  	(v2sf) =	vpush v0, $0x0  }
0x85: {  	(v2sf) =	vpush v0, $0x1  }
0x86: {  	(v2sf) =	vpush v0, $0x2;
	_ =	sdelay $0x1  }
0x87: {  	(v2sf) =	vpush v0, $0x4;
	_ =	sdelay $0x1  }
0x88: {  	(v2sf) =	vpush v0, $0x3  }
0x89: {  	(v2sf) =	vpush v0, $0x5  }
0x8a: {  	s16 =	simm.s32 $0x0;
	s18 =	simm.s32 $0x2000;
	(v2sf) =	vpush v0, $0x6  }
.LBB2_4:
0x8b: {  	p0 =	sne.s32 s18, $0x3E000  }
0x8c: {  	s0 =	sadd.s32 $0x280, s16;
	s22 =	sadd.s32 $0x780, s16;
	s19 =	smov.u32 s18  }
0x8d: {  	s18 =	sadd.s32 $0x2000, s18;
	s25 =	sadd.s32 $0x580, s16;
	s20 =	sadd.s32 $0x800, s16;
	(v2sf) =	vpush v0, $0x7  }
0x8e: {  	s28 =	sadd.s32 $0x480, s16;
	s24 =	sadd.s32 $0x600, s16;
	s21 =	sadd.s32 $0x880, s16  }
0x8f: {  	s1 =	sadd.s32 $0x200, s16;
	s5 =	sadd.s32 $0x400, s16;
	(v2sf) =	vpush v0, $0x8  }
0x90: {  	s6 =	sadd.s32 $0x500, s16;
	s17 =	sadd.s32 $0x10, s17  }
0x91: {  	s7 =	sadd.s32 $0x300, s16;
	s23 =	sadd.s32 $0x700, s16;
	s26 =	spop (v2sf);
	(v2sf) =	vpush v0, $0x9  }
0x92: {  	s29 =	sand.u32 $0x1FFFFFF0, s26;
	s26 =	sadd.s32 $0x680, s16;
	s30 =	spop (v2sf)  }
0x93: {  	s29 =	sadd.s32 s4, s29;
	s30 =	sand.u32 $0x1FFFFFF0, s30;
	s31 =	spop (v2sf);
	(v2sf) =	vpush v0, $0xA  }
0x94: {  	[tilespmem:s1], [sflag:$0x1] =	stream.linear.gather [hbm4b:s29+s2], $0x80, $0x38;
	[tilespmem:$0x10200] =	vst v63  }
0x95: {  	s1 =	sadd.s32 s4, s30;
	s29 =	sadd.s32 $0x380, s16;
	s30 =	spop (v2sf);
	(v2sf) =	vpush v0, $0xB  }
0x96: {  	[tilespmem:s0], [sflag:$0x1] =	stream.linear.gather [hbm4b:s1+s2], $0x80, $0x38;
	[tilespmem:$0x10200] =	vst v63  }
0x97: {  	s0 =	sand.u32 $0x1FFFFFF0, s31;
	s1 =	sand.u32 $0x1FFFFFF0, s30;
	s30 =	spop (v2sf);
	(v2sf) =	vpush v0, $0xC  }
0x98: {  	s0 =	sadd.s32 s4, s0;
	s30 =	sand.u32 $0x1FFFFFF0, s30;
	s31 =	spop (v2sf)  }
0x99: {  	[tilespmem:s7], [sflag:$0x1] =	stream.linear.gather [hbm4b:s0+s2], $0x80, $0x38;
	(v2sf) =	vpush v0, $0xD;
	[tilespmem:$0x10200] =	vst v63  }
0x9a: {  	s0 =	sadd.s32 s4, s30;
	s7 =	sand.u32 $0x1FFFFFF0, s31;
	s30 =	spop (v2sf)  }
0x9b: {  	[tilespmem:s29], [sflag:$0x1] =	stream.linear.gather [hbm4b:s0+s2], $0x80, $0x38;
	(v2sf) =	vpush v0, $0xE;
	[tilespmem:$0x10200] =	vst v63  }
0x9c: {  	s0 =	sadd.s32 s4, s1;
	s1 =	sand.u32 $0x1FFFFFF0, s30;
	s29 =	spop (v2sf)  }
0x9d: {  	[tilespmem:s5], [sflag:$0x1] =	stream.linear.gather [hbm4b:s0+s2], $0x80, $0x38;
	(v2sf) =	vpush v0, $0xF;
	[tilespmem:$0x10200] =	vst v63  }
0x9e: {  	s0 =	sadd.s32 s4, s7;
	s5 =	sand.u32 $0x1FFFFFF0, s29;
	s7 =	spop (v2sf)  }
0x9f: {  	[tilespmem:s28], [sflag:$0x1] =	stream.linear.gather [hbm4b:s0+s2], $0x80, $0x38;
	[tilespmem:$0x10200] =	vst v63  }
0xa0: {  	s0 =	sadd.s32 s4, s1;
	s1 =	sand.u32 $0x1FFFFFF0, s7;
	s7 =	spop (v2sf)  }
0xa1: {  	[tilespmem:s6], [sflag:$0x1] =	stream.linear.gather [hbm4b:s0+s2], $0x80, $0x38;
	[tilespmem:$0x10200] =	vst v63  }
0xa2: {  	s0 =	sadd.s32 s4, s5;
	s5 =	sand.u32 $0x1FFFFFF0, s7;
	s6 =	spop (v2sf)  }
0xa3: {  	[tilespmem:s25], [sflag:$0x1] =	stream.linear.gather [hbm4b:s0+s2], $0x80, $0x38;
	[tilespmem:$0x10200] =	vst v63  }
0xa4: {  	s0 =	sadd.s32 s4, s1;
	s1 =	sand.u32 $0x1FFFFFF0, s6;
	s6 =	spop (v2sf)  }
0xa5: {  	[tilespmem:s24], [sflag:$0x1] =	stream.linear.gather [hbm4b:s0+s2], $0x80, $0x38;
	[tilespmem:$0x10200] =	vst v63  }
0xa6: {  	s0 =	sadd.s32 s4, s5;
	s5 =	sand.u32 $0x1FFFFFF0, s6;
	s6 =	spop (v2sf)  }
0xa7: {  	[tilespmem:s26], [sflag:$0x1] =	stream.linear.gather [hbm4b:s0+s2], $0x80, $0x38;
	[tilespmem:$0x10200] =	vst v63  }
0xa8: {  	s0 =	sadd.s32 s4, s1;
	s1 =	sand.u32 $0x1FFFFFF0, s6;
	s6 =	spop (v2sf)  }
0xa9: {  	[tilespmem:s23], [sflag:$0x1] =	stream.linear.gather [hbm4b:s0+s2], $0x80, $0x38;
	[tilespmem:$0x10200] =	vst v63  }
0xaa: {  	s0 =	sadd.s32 s4, s5;
	s5 =	sand.u32 $0x1FFFFFF0, s6;
	s6 =	spop (v2sf)  }
0xab: {  	[tilespmem:s22], [sflag:$0x1] =	stream.linear.gather [hbm4b:s0+s2], $0x80, $0x38;
	[tilespmem:$0x10200] =	vst v63  }
0xac: {  	s0 =	sadd.s32 s4, s1;
	s1 =	sand.u32 $0x1FFFFFF0, s6;
	s6 =	spop (v2sf)  }
0xad: {  	[tilespmem:s20], [sflag:$0x1] =	stream.linear.gather [hbm4b:s0+s2], $0x80, $0x38;
	[tilespmem:$0x10200] =	vst v63  }
0xae: {  	s0 =	sadd.s32 s4, s5;
	s5 =	sand.u32 $0x1FFFFFF0, s6  }
0xaf: {  	[tilespmem:s21], [sflag:$0x1] =	stream.linear.gather [hbm4b:s0+s2], $0x80, $0x38;
	[tilespmem:$0x10200] =	vst v63  }
0xb0: {  	s1 =	sadd.s32 s4, s1;
	s0 =	sadd.s32 $0x900, s16  }
0xb1: {  	[tilespmem:s0], [sflag:$0x1] =	stream.linear.gather [hbm4b:s1+s2], $0x80, $0x38;
	[tilespmem:$0x10200] =	vst v63  }
0xb2: {  	s0 =	sadd.s32 $0x980, s16;
	s1 =	sadd.s32 s4, s5  }
0xb3: {  	[tilespmem:s0], [sflag:$0x1] =	stream.linear.gather [hbm4b:s1+s2], $0x80, $0x38;
	[tilespmem:$0x10200] =	vst v63  }
0xb4: {  	v0 =	vld [tilespmem:s17+$0x0];
	_ =	sdelay $0x4  }
0xb5: {  	v0 =	vshll.u32 v0, $0x4  }
0xb6: {  	(v2sf) =	vpush v0, $0x0  }
0xb7: {  	(v2sf) =	vpush v0, $0x1  }
0xb8: {  	(v2sf) =	vpush v0, $0x2;
	_ =	sdelay $0x1  }
0xb9: {  	(v2sf) =	vpush v0, $0x4  }
.Ltmp1:
0xba: {  	(pc) =	sbr.rel @p0 .LBB2_4-.Ltmp1, $3  }
0xbb: {  	(v2sf) =	vpush v0, $0x3  }
0xbc: {  	(v2sf) =	vpush v0, $0x5;
	_ =	sdelay $0x1  }
0xbd: {  	s16 =	sshra.s32 s19, $0x2;
	(v2sf) =	vpush v0, $0x6  }
0xbe: {  	_ =	sdelay $0x1  }
0xbf: {  	s0 =	sadd.s32 $0x280, s16;
	s19 =	sadd.s32 $0x780, s16  }
0xc0: {  	s1 =	sadd.s32 $0x580, s16;
	s17 =	sadd.s32 $0x800, s16;
	(v2sf) =	vpush v0, $0x7;
	s5 =	sadd.s32 $0x480, s16  }
0xc1: {  	s6 =	sadd.s32 $0x600, s16;
	s18 =	sadd.s32 $0x880, s16;
	s7 =	sadd.s32 $0x200, s16  }
0xc2: {  	s20 =	sadd.s32 $0x400, s16;
	s21 =	sadd.s32 $0x500, s16;
	(v2sf) =	vpush v0, $0x8;
	s22 =	spop (v2sf)  }
0xc3: {  	s23 =	sadd.s32 $0x300, s16;
	s22 =	sand.u32 $0x1FFFFFF0, s22;
	s24 =	spop (v2sf)  }
0xc4: {  	(v2sf) =	vpush v0, $0x9;
	s22 =	sadd.s32 s4, s22;
	s24 =	sand.u32 $0x1FFFFFF0, s24;
	s25 =	spop (v2sf)  }
0xc5: {  	[tilespmem:s7], [sflag:$0x1] =	stream.linear.gather [hbm4b:s22+s2], $0x80, $0x38;
	[tilespmem:$0x10200] =	vst v63  }
0xc6: {  	(v2sf) =	vpush v0, $0xA;
	s26 =	sadd.s32 s4, s24;
	s29 =	sand.u32 $0x1FFFFFF0, s25;
	s28 =	spop (v2sf)  }
0xc7: {  	[tilespmem:s0], [sflag:$0x1] =	stream.linear.gather [hbm4b:s26+s2], $0x80, $0x38;
	[tilespmem:$0x10200] =	vst v63  }
0xc8: {  	s7 =	sadd.s32 $0x700, s16;
	(v2sf) =	vpush v0, $0xB;
	s22 =	sadd.s32 s4, s29;
	s30 =	spop (v2sf)  }
0xc9: {  	s0 =	sadd.s32 $0x680, s16;
	s26 =	sadd.s32 $0x380, s16;
	s25 =	sand.u32 $0x1FFFFFF0, s30  }
0xca: {  	(v2sf) =	vpush v0, $0xC;
	[tilespmem:s23], [sflag:$0x1] =	stream.linear.gather [hbm4b:s22+s2], $0x80, $0x38;
	[tilespmem:$0x10200] =	vst v63  }
0xcb: {  	s31 =	sand.u32 $0x1FFFFFF0, s28;
	s28 =	spop (v2sf);
	s29 =	sadd.s32 s4, s25  }
0xcc: {  	(v2sf) =	vpush v0, $0xD;
	[tilespmem:s26], [sflag:$0x1] =	stream.linear.gather [hbm4b:s29+s2], $0x80, $0x38;
	[tilespmem:$0x10200] =	vst v63  }
0xcd: {  	s22 =	sadd.s32 s4, s31;
	s23 =	sand.u32 $0x1FFFFFF0, s28;
	s30 =	spop (v2sf)  }
0xce: {  	(v2sf) =	vpush v0, $0xE;
	[tilespmem:s20], [sflag:$0x1] =	stream.linear.gather [hbm4b:s22+s2], $0x80, $0x38;
	[tilespmem:$0x10200] =	vst v63  }
0xcf: {  	s23 =	sadd.s32 s4, s23;
	s31 =	sand.u32 $0x1FFFFFF0, s30;
	s24 =	spop (v2sf)  }
0xd0: {  	(v2sf) =	vpush v0, $0xF;
	[tilespmem:s5], [sflag:$0x1] =	stream.linear.gather [hbm4b:s23+s2], $0x80, $0x38;
	[tilespmem:$0x10200] =	vst v63  }
0xd1: {  	s25 =	sand.u32 $0x1FFFFFF0, s24;
	s26 =	spop (v2sf);
	s20 =	sadd.s32 s4, s31  }
0xd2: {  	[tilespmem:s21], [sflag:$0x1] =	stream.linear.gather [hbm4b:s20+s2], $0x80, $0x38;
	[tilespmem:$0x10200] =	vst v63  }
0xd3: {  	s28 =	sand.u32 $0x1FFFFFF0, s26;
	s5 =	sadd.s32 s4, s25;
	s29 =	spop (v2sf)  }
0xd4: {  	[tilespmem:s1], [sflag:$0x1] =	stream.linear.gather [hbm4b:s5+s2], $0x80, $0x38;
	[tilespmem:$0x10200] =	vst v63  }
0xd5: {  	s20 =	sadd.s32 s4, s28;
	s30 =	sand.u32 $0x1FFFFFF0, s29;
	s31 =	spop (v2sf)  }
0xd6: {  	[tilespmem:s6], [sflag:$0x1] =	stream.linear.gather [hbm4b:s20+s2], $0x80, $0x38;
	[tilespmem:$0x10200] =	vst v63  }
0xd7: {  	s5 =	sand.u32 $0x1FFFFFF0, s31;
	s1 =	sadd.s32 s4, s30;
	s20 =	spop (v2sf)  }
0xd8: {  	[tilespmem:s0], [sflag:$0x1] =	stream.linear.gather [hbm4b:s1+s2], $0x80, $0x38;
	[tilespmem:$0x10200] =	vst v63  }
0xd9: {  	s5 =	sadd.s32 s4, s5;
	s21 =	sand.u32 $0x1FFFFFF0, s20;
	s22 =	spop (v2sf)  }
0xda: {  	[tilespmem:s7], [sflag:$0x1] =	stream.linear.gather [hbm4b:s5+s2], $0x80, $0x38;
	[tilespmem:$0x10200] =	vst v63  }
0xdb: {  	s0 =	sadd.s32 s4, s21;
	s1 =	sand.u32 $0x1FFFFFF0, s22;
	s23 =	spop (v2sf)  }
0xdc: {  	[tilespmem:s19], [sflag:$0x1] =	stream.linear.gather [hbm4b:s0+s2], $0x80, $0x38;
	[tilespmem:$0x10200] =	vst v63  }
0xdd: {  	s24 =	sand.u32 $0x1FFFFFF0, s23;
	s1 =	sadd.s32 s4, s1;
	s25 =	spop (v2sf)  }
0xde: {  	[tilespmem:s17], [sflag:$0x1] =	stream.linear.gather [hbm4b:s1+s2], $0x80, $0x38;
	[tilespmem:$0x10200] =	vst v63  }
0xdf: {  	s26 =	sand.u32 $0x1FFFFFF0, s25;
	s28 =	spop (v2sf);
	s0 =	sadd.s32 s4, s24  }
0xe0: {  	[tilespmem:s18], [sflag:$0x1] =	stream.linear.gather [hbm4b:s0+s2], $0x80, $0x38;
	[tilespmem:$0x10200] =	vst v63  }
0xe1: {  	s30 =	sadd.s32 $0x900, s16;
	s29 =	sand.u32 $0x1FFFFFF0, s28;
	s1 =	sadd.s32 s4, s26  }
0xe2: {  	[tilespmem:s30], [sflag:$0x1] =	stream.linear.gather [hbm4b:s1+s2], $0x80, $0x38;
	[tilespmem:$0x10200] =	vst v63  }
0xe3: {  	s31 =	sadd.s32 $0x980, s16;
	s0 =	sadd.s32 s4, s29  }
0xe4: {  	[tilespmem:s31], [sflag:$0x1] =	stream.linear.gather [hbm4b:s0+s2], $0x80, $0x38;
	[tilespmem:$0x10200] =	vst v63  }
0xe5: {  	_ =	swait.ge [sflag:s13], $0x10000  }
0xe6: {  	[sflag:s13] =	ssyncset.done $0x0  }
0xe7: {  	s17 =	simm.s32 $0x0;
	[sflag:s13] =	ssyncadd.s32 $0xFFFF0000  }
0xe8: {  	[hbm4b:s8+s17] =	stream.linear.scatter [tilespmem:s14], [sflag:$0x2], $0x10000, $0x38;
	[tilespmem:$0x10200] =	vst v63  }
0xe9: {  	_ =	swait.ge [sflag:s12], $0x10000  }
0xea: {  	[sflag:s12] =	ssyncset.done $0x0  }
0xeb: {  	[sflag:s12] =	ssyncadd.s32 $0xFFFF0000  }
0xec: {  	[tilespmem:s17], [sflag:$0x2] =	stream.linear.gather [hbm4b:s9+s17], $0x200, $0x38;
	[tilespmem:$0x10200] =	vst v63  }
0xed: {  	_ =	swait.ge [sflag:s12], $0x200  }
0xee: {  	[sflag:s12] =	ssyncset.done $0x0  }
0xef: {  	[sflag:s12] =	ssyncadd.s32 $0xFFFFFE00  }
0xf0: {  	v0 =	vld [tilespmem:s17+$0x0];
	_ =	sdelay $0x4  }
0xf1: {  	v0 =	vshll.u32 v0, $0x4  }
0xf2: {  	(v2sf) =	vpush v0, $0x0  }
0xf3: {  	(v2sf) =	vpush v0, $0x1  }
0xf4: {  	(v2sf) =	vpush v0, $0x2;
	_ =	sdelay $0x1  }
0xf5: {  	(v2sf) =	vpush v0, $0x4;
	_ =	sdelay $0x1  }
0xf6: {  	(v2sf) =	vpush v0, $0x3  }
0xf7: {  	(v2sf) =	vpush v0, $0x5  }
0xf8: {  	s16 =	simm.s32 $0x0;
	s18 =	simm.s32 $0x2000;
	(v2sf) =	vpush v0, $0x6  }
.LBB2_6:
0xf9: {  	p0 =	sne.s32 s18, $0x3E000  }
0xfa: {  	s0 =	sadd.s32 $0x280, s16;
	s22 =	sadd.s32 $0x780, s16;
	s19 =	smov.u32 s18  }
0xfb: {  	s18 =	sadd.s32 $0x2000, s18;
	s25 =	sadd.s32 $0x580, s16;
	s20 =	sadd.s32 $0x800, s16;
	(v2sf) =	vpush v0, $0x7  }
0xfc: {  	s28 =	sadd.s32 $0x480, s16;
	s24 =	sadd.s32 $0x600, s16;
	s21 =	sadd.s32 $0x880, s16  }
0xfd: {  	s1 =	sadd.s32 $0x200, s16;
	s5 =	sadd.s32 $0x400, s16;
	(v2sf) =	vpush v0, $0x8  }
0xfe: {  	s6 =	sadd.s32 $0x500, s16;
	s17 =	sadd.s32 $0x10, s17  }
0xff: {  	s7 =	sadd.s32 $0x300, s16;
	s23 =	sadd.s32 $0x700, s16;
	s26 =	spop (v2sf);
	(v2sf) =	vpush v0, $0x9  }
0x100: {  	s29 =	sand.u32 $0x1FFFFFF0, s26;
	s26 =	sadd.s32 $0x680, s16;
	s30 =	spop (v2sf)  }
0x101: {  	s29 =	sadd.s32 s4, s29;
	s30 =	sand.u32 $0x1FFFFFF0, s30;
	s31 =	spop (v2sf);
	(v2sf) =	vpush v0, $0xA  }
0x102: {  	[tilespmem:s1], [sflag:$0x1] =	stream.linear.gather [hbm4b:s29+s2], $0x80, $0x38;
	[tilespmem:$0x10200] =	vst v63  }
0x103: {  	s1 =	sadd.s32 s4, s30;
	s29 =	sadd.s32 $0x380, s16;
	s30 =	spop (v2sf);
	(v2sf) =	vpush v0, $0xB  }
0x104: {  	[tilespmem:s0], [sflag:$0x1] =	stream.linear.gather [hbm4b:s1+s2], $0x80, $0x38;
	[tilespmem:$0x10200] =	vst v63  }
0x105: {  	s0 =	sand.u32 $0x1FFFFFF0, s31;
	s1 =	sand.u32 $0x1FFFFFF0, s30;
	s30 =	spop (v2sf);
	(v2sf) =	vpush v0, $0xC  }
0x106: {  	s0 =	sadd.s32 s4, s0;
	s30 =	sand.u32 $0x1FFFFFF0, s30;
	s31 =	spop (v2sf)  }
0x107: {  	[tilespmem:s7], [sflag:$0x1] =	stream.linear.gather [hbm4b:s0+s2], $0x80, $0x38;
	(v2sf) =	vpush v0, $0xD;
	[tilespmem:$0x10200] =	vst v63  }
0x108: {  	s0 =	sadd.s32 s4, s30;
	s7 =	sand.u32 $0x1FFFFFF0, s31;
	s30 =	spop (v2sf)  }
0x109: {  	[tilespmem:s29], [sflag:$0x1] =	stream.linear.gather [hbm4b:s0+s2], $0x80, $0x38;
	(v2sf) =	vpush v0, $0xE;
	[tilespmem:$0x10200] =	vst v63  }
0x10a: {  	s0 =	sadd.s32 s4, s1;
	s1 =	sand.u32 $0x1FFFFFF0, s30;
	s29 =	spop (v2sf)  }
0x10b: {  	[tilespmem:s5], [sflag:$0x1] =	stream.linear.gather [hbm4b:s0+s2], $0x80, $0x38;
	(v2sf) =	vpush v0, $0xF;
	[tilespmem:$0x10200] =	vst v63  }
0x10c: {  	s0 =	sadd.s32 s4, s7;
	s5 =	sand.u32 $0x1FFFFFF0, s29;
	s7 =	spop (v2sf)  }
0x10d: {  	[tilespmem:s28], [sflag:$0x1] =	stream.linear.gather [hbm4b:s0+s2], $0x80, $0x38;
	[tilespmem:$0x10200] =	vst v63  }
0x10e: {  	s0 =	sadd.s32 s4, s1;
	s1 =	sand.u32 $0x1FFFFFF0, s7;
	s7 =	spop (v2sf)  }
0x10f: {  	[tilespmem:s6], [sflag:$0x1] =	stream.linear.gather [hbm4b:s0+s2], $0x80, $0x38;
	[tilespmem:$0x10200] =	vst v63  }
0x110: {  	s0 =	sadd.s32 s4, s5;
	s5 =	sand.u32 $0x1FFFFFF0, s7;
	s6 =	spop (v2sf)  }
0x111: {  	[tilespmem:s25], [sflag:$0x1] =	stream.linear.gather [hbm4b:s0+s2], $0x80, $0x38;
	[tilespmem:$0x10200] =	vst v63  }
0x112: {  	s0 =	sadd.s32 s4, s1;
	s1 =	sand.u32 $0x1FFFFFF0, s6;
	s6 =	spop (v2sf)  }
0x113: {  	[tilespmem:s24], [sflag:$0x1] =	stream.linear.gather [hbm4b:s0+s2], $0x80, $0x38;
	[tilespmem:$0x10200] =	vst v63  }
0x114: {  	s0 =	sadd.s32 s4, s5;
	s5 =	sand.u32 $0x1FFFFFF0, s6;
	s6 =	spop (v2sf)  }
0x115: {  	[tilespmem:s26], [sflag:$0x1] =	stream.linear.gather [hbm4b:s0+s2], $0x80, $0x38;
	[tilespmem:$0x10200] =	vst v63  }
0x116: {  	s0 =	sadd.s32 s4, s1;
	s1 =	sand.u32 $0x1FFFFFF0, s6;
	s6 =	spop (v2sf)  }
0x117: {  	[tilespmem:s23], [sflag:$0x1] =	stream.linear.gather [hbm4b:s0+s2], $0x80, $0x38;
	[tilespmem:$0x10200] =	vst v63  }
0x118: {  	s0 =	sadd.s32 s4, s5;
	s5 =	sand.u32 $0x1FFFFFF0, s6;
	s6 =	spop (v2sf)  }
0x119: {  	[tilespmem:s22], [sflag:$0x1] =	stream.linear.gather [hbm4b:s0+s2], $0x80, $0x38;
	[tilespmem:$0x10200] =	vst v63  }
0x11a: {  	s0 =	sadd.s32 s4, s1;
	s1 =	sand.u32 $0x1FFFFFF0, s6;
	s6 =	spop (v2sf)  }
0x11b: {  	[tilespmem:s20], [sflag:$0x1] =	stream.linear.gather [hbm4b:s0+s2], $0x80, $0x38;
	[tilespmem:$0x10200] =	vst v63  }
0x11c: {  	s0 =	sadd.s32 s4, s5;
	s5 =	sand.u32 $0x1FFFFFF0, s6  }
0x11d: {  	[tilespmem:s21], [sflag:$0x1] =	stream.linear.gather [hbm4b:s0+s2], $0x80, $0x38;
	[tilespmem:$0x10200] =	vst v63  }
0x11e: {  	s1 =	sadd.s32 s4, s1;
	s0 =	sadd.s32 $0x900, s16  }
0x11f: {  	[tilespmem:s0], [sflag:$0x1] =	stream.linear.gather [hbm4b:s1+s2], $0x80, $0x38;
	[tilespmem:$0x10200] =	vst v63  }
0x120: {  	s0 =	sadd.s32 $0x980, s16;
	s1 =	sadd.s32 s4, s5  }
0x121: {  	[tilespmem:s0], [sflag:$0x1] =	stream.linear.gather [hbm4b:s1+s2], $0x80, $0x38;
	[tilespmem:$0x10200] =	vst v63  }
0x122: {  	v0 =	vld [tilespmem:s17+$0x0];
	_ =	sdelay $0x4  }
0x123: {  	v0 =	vshll.u32 v0, $0x4  }
0x124: {  	(v2sf) =	vpush v0, $0x0  }
0x125: {  	(v2sf) =	vpush v0, $0x1  }
0x126: {  	(v2sf) =	vpush v0, $0x2;
	_ =	sdelay $0x1  }
0x127: {  	(v2sf) =	vpush v0, $0x4  }
.Ltmp2:
0x128: {  	(pc) =	sbr.rel @p0 .LBB2_6-.Ltmp2, $3  }
0x129: {  	(v2sf) =	vpush v0, $0x3  }
0x12a: {  	(v2sf) =	vpush v0, $0x5;
	_ =	sdelay $0x1  }
0x12b: {  	s16 =	sshra.s32 s19, $0x2;
	(v2sf) =	vpush v0, $0x6  }
0x12c: {  	_ =	sdelay $0x1  }
0x12d: {  	s0 =	sadd.s32 $0x280, s16;
	s19 =	sadd.s32 $0x780, s16  }
0x12e: {  	s1 =	sadd.s32 $0x580, s16;
	s17 =	sadd.s32 $0x800, s16;
	(v2sf) =	vpush v0, $0x7;
	s5 =	sadd.s32 $0x480, s16  }
0x12f: {  	s6 =	sadd.s32 $0x600, s16;
	s18 =	sadd.s32 $0x880, s16;
	s7 =	sadd.s32 $0x200, s16  }
0x130: {  	s20 =	sadd.s32 $0x400, s16;
	s21 =	sadd.s32 $0x500, s16;
	(v2sf) =	vpush v0, $0x8;
	s22 =	spop (v2sf)  }
0x131: {  	s23 =	sadd.s32 $0x300, s16;
	s22 =	sand.u32 $0x1FFFFFF0, s22;
	s24 =	spop (v2sf)  }
0x132: {  	(v2sf) =	vpush v0, $0x9;
	s22 =	sadd.s32 s4, s22;
	s24 =	sand.u32 $0x1FFFFFF0, s24;
	s25 =	spop (v2sf)  }
0x133: {  	[tilespmem:s7], [sflag:$0x1] =	stream.linear.gather [hbm4b:s22+s2], $0x80, $0x38;
	[tilespmem:$0x10200] =	vst v63  }
0x134: {  	(v2sf) =	vpush v0, $0xA;
	s26 =	sadd.s32 s4, s24;
	s29 =	sand.u32 $0x1FFFFFF0, s25;
	s28 =	spop (v2sf)  }
0x135: {  	[tilespmem:s0], [sflag:$0x1] =	stream.linear.gather [hbm4b:s26+s2], $0x80, $0x38;
	[tilespmem:$0x10200] =	vst v63  }
0x136: {  	s7 =	sadd.s32 $0x700, s16;
	(v2sf) =	vpush v0, $0xB;
	s22 =	sadd.s32 s4, s29;
	s30 =	spop (v2sf)  }
0x137: {  	s0 =	sadd.s32 $0x680, s16;
	s26 =	sadd.s32 $0x380, s16;
	s25 =	sand.u32 $0x1FFFFFF0, s30  }
0x138: {  	(v2sf) =	vpush v0, $0xC;
	[tilespmem:s23], [sflag:$0x1] =	stream.linear.gather [hbm4b:s22+s2], $0x80, $0x38;
	[tilespmem:$0x10200] =	vst v63  }
0x139: {  	s31 =	sand.u32 $0x1FFFFFF0, s28;
	s28 =	spop (v2sf);
	s29 =	sadd.s32 s4, s25  }
0x13a: {  	(v2sf) =	vpush v0, $0xD;
	[tilespmem:s26], [sflag:$0x1] =	stream.linear.gather [hbm4b:s29+s2], $0x80, $0x38;
	[tilespmem:$0x10200] =	vst v63  }
0x13b: {  	s22 =	sadd.s32 s4, s31;
	s23 =	sand.u32 $0x1FFFFFF0, s28;
	s30 =	spop (v2sf)  }
0x13c: {  	(v2sf) =	vpush v0, $0xE;
	[tilespmem:s20], [sflag:$0x1] =	stream.linear.gather [hbm4b:s22+s2], $0x80, $0x38;
	[tilespmem:$0x10200] =	vst v63  }
0x13d: {  	s23 =	sadd.s32 s4, s23;
	s31 =	sand.u32 $0x1FFFFFF0, s30;
	s24 =	spop (v2sf)  }
0x13e: {  	(v2sf) =	vpush v0, $0xF;
	[tilespmem:s5], [sflag:$0x1] =	stream.linear.gather [hbm4b:s23+s2], $0x80, $0x38;
	[tilespmem:$0x10200] =	vst v63  }
0x13f: {  	s25 =	sand.u32 $0x1FFFFFF0, s24;
	s26 =	spop (v2sf);
	s20 =	sadd.s32 s4, s31  }
0x140: {  	[tilespmem:s21], [sflag:$0x1] =	stream.linear.gather [hbm4b:s20+s2], $0x80, $0x38;
	[tilespmem:$0x10200] =	vst v63  }
0x141: {  	s28 =	sand.u32 $0x1FFFFFF0, s26;
	s5 =	sadd.s32 s4, s25;
	s29 =	spop (v2sf)  }
0x142: {  	[tilespmem:s1], [sflag:$0x1] =	stream.linear.gather [hbm4b:s5+s2], $0x80, $0x38;
	[tilespmem:$0x10200] =	vst v63  }
0x143: {  	s20 =	sadd.s32 s4, s28;
	s30 =	sand.u32 $0x1FFFFFF0, s29;
	s31 =	spop (v2sf)  }
0x144: {  	[tilespmem:s6], [sflag:$0x1] =	stream.linear.gather [hbm4b:s20+s2], $0x80, $0x38;
	[tilespmem:$0x10200] =	vst v63  }
0x145: {  	s5 =	sand.u32 $0x1FFFFFF0, s31;
	s1 =	sadd.s32 s4, s30;
	s20 =	spop (v2sf)  }
0x146: {  	[tilespmem:s0], [sflag:$0x1] =	stream.linear.gather [hbm4b:s1+s2], $0x80, $0x38;
	[tilespmem:$0x10200] =	vst v63  }
0x147: {  	s5 =	sadd.s32 s4, s5;
	s21 =	sand.u32 $0x1FFFFFF0, s20;
	s22 =	spop (v2sf)  }
0x148: {  	[tilespmem:s7], [sflag:$0x1] =	stream.linear.gather [hbm4b:s5+s2], $0x80, $0x38;
	[tilespmem:$0x10200] =	vst v63  }
0x149: {  	s0 =	sadd.s32 s4, s21;
	s1 =	sand.u32 $0x1FFFFFF0, s22;
	s23 =	spop (v2sf)  }
0x14a: {  	[tilespmem:s19], [sflag:$0x1] =	stream.linear.gather [hbm4b:s0+s2], $0x80, $0x38;
	[tilespmem:$0x10200] =	vst v63  }
0x14b: {  	s24 =	sand.u32 $0x1FFFFFF0, s23;
	s1 =	sadd.s32 s4, s1;
	s25 =	spop (v2sf)  }
0x14c: {  	[tilespmem:s17], [sflag:$0x1] =	stream.linear.gather [hbm4b:s1+s2], $0x80, $0x38;
	[tilespmem:$0x10200] =	vst v63  }
0x14d: {  	s26 =	sand.u32 $0x1FFFFFF0, s25;
	s28 =	spop (v2sf);
	s0 =	sadd.s32 s4, s24  }
0x14e: {  	[tilespmem:s18], [sflag:$0x1] =	stream.linear.gather [hbm4b:s0+s2], $0x80, $0x38;
	[tilespmem:$0x10200] =	vst v63  }
0x14f: {  	s30 =	sadd.s32 $0x900, s16;
	s29 =	sand.u32 $0x1FFFFFF0, s28;
	s1 =	sadd.s32 s4, s26  }
0x150: {  	[tilespmem:s30], [sflag:$0x1] =	stream.linear.gather [hbm4b:s1+s2], $0x80, $0x38;
	[tilespmem:$0x10200] =	vst v63  }
0x151: {  	s31 =	sadd.s32 $0x980, s16;
	s0 =	sadd.s32 s4, s29  }
0x152: {  	[tilespmem:s31], [sflag:$0x1] =	stream.linear.gather [hbm4b:s0+s2], $0x80, $0x38;
	[tilespmem:$0x10200] =	vst v63  }
0x153: {  	s15 =	sadd.s32 $0x1, s15;
	_ =	swait.ge [sflag:s13], $0x10000  }
0x154: {  	p0 =	sne.s32 s15, s11;
	[sflag:s13] =	ssyncset.done $0x0  }
.Ltmp3:
0x155: {  	[sflag:s13] =	ssyncadd.s32 $0xFFFF0000;
	(pc) =	sbr.rel @p0 .LBB2_1-.Ltmp3, $4  }
0x156: {  	[hbm4b:s10+s2] =	stream.linear.scatter [tilespmem:s14], [sflag:$0x2], $0x10000, $0x38;
	[tilespmem:$0x10200] =	vst v63  }
0x157: {  	_ =	swait.ge [sflag:s12], $0x10000  }
0x158: {  	[sflag:s12] =	ssyncset.done $0x0  }
0x159: {  	[sflag:s12] =	ssyncadd.s32 $0xFFFF0000  }
0x15a: {  	_ =	sfence.sel $0x180000  }
0x15b: {  	[bflag:$0x0] =	sbarrier.arrive $0xFFFF  }
0x15c: {  	_ =	strace $0x90000047  }
0x15d: {  	s0 =	stileid.u32;
	[bflag:$0x2] =	sbarrier.arrive $0xFFFF  }
0x15e: {  	p0 =	sne.s32 s0, $0x0;
	s0 =	rddreg [dreg:$0x4]  }
0x15f: {  	s0 =	sadd.s32 @!p0 $0x100000, s0  }
0x160: {  	[sflag:s0] =	ssyncadd.tile.s32 @!p0 $0x1;
	_ =	shalt  }
.Lfunc_end2:
_tile_overlayer_lowered:
.L_overlay_start_2:
0x161: {  	(tag) =	ssettag $0x2  }
0x162: {  	s0 =	rddreg [dreg:$0x0];
	s2 =	stileid.u32  }
0x163: {  	s1 =	rddreg [dreg:$0x1];
	p0 =	sne.s32 s2, $0x0  }
0x164: {  	s3 =	rddreg [dreg:$0x2];
	[bflag:$0x3] =	sbarrier.arrive $0xFFFF;
	s2 =	simm.s32 @!p0 $0x1C02  }
0x165: {  	[timem:s3], [sflag:s2] =	dma.local @!p0 [hbm:s0], s1  }
0x166: {  	s0 =	simm.s32 @!p0 $0x2  }
0x167: {  	_ =	swait.ge @!p0 [sflag:s0], s1  }
0x168: {  	s1 =	ssub.s32 @!p0 $0x0, s1;
	[sflag:s0] =	ssyncset.done @!p0 $0x0  }
0x169: {  	[sflag:s0] =	ssyncadd.s32 @!p0 s1  }
0x16a: {  	[bflag:$0x3] =	sbarrier.arrive $0xFFFF  }
0x16b: {  	_ =	shalt  }

</sc_bundles>
